<compile_context>
chip_gen: v7x
topology: tpu7x:2x2x1
jax: 0.10.2.dev20260603
libtpu: 0.0.44.dev20260713+nightly
codegen_flags: <defaults>
</compile_context>

<pallas_src>
import math

import jax
import jax.numpy as jnp
from jax import lax
from jax.experimental import pallas as pl
from jax.experimental.pallas import tpu as pltpu
from jax.experimental.pallas import tpu_sc as plsc

N = 10000
D = 128
HD = D // 2
E = 320000
BN_SCALE = 1.0 / math.sqrt(1.0 + 1e-5)

NC = 2
NS = 16
NW = NC * NS

CHUNK = 128
ROWS = 10112
SEG = ROWS // NS

CH_D = 79
EPAD_D = NW * CH_D * CHUNK
CH_A = 157
EPAD_A = NS * CH_A * CHUNK

_f32 = jnp.float32
_mesh = plsc.VectorSubcoreMesh(core_axis_name="c", subcore_axis_name="s",
                               num_cores=NC, num_subcores=NS)


def _sc_degree(dst_hbm, zrow_hbm, onehot_hbm, deg_out, acc, ones_v, dst_v):
    c = lax.axis_index("c")
    s = lax.axis_index("s")
    w = c * NS + s

    pltpu.sync_copy(onehot_hbm, ones_v)
    pltpu.sync_copy(zrow_hbm, acc.at[pl.ds(s * SEG, SEG)])
    plsc.subcore_barrier()

    pltpu.sync_copy(dst_hbm.at[w], dst_v)

    def step(j, carry):
        pltpu.sync_copy(ones_v, acc.at[dst_v.at[j]], add=True)
        return carry

    lax.fori_loop(0, CH_D, step, 0)
    plsc.subcore_barrier()

    pltpu.sync_copy(acc.at[pl.ds(s * SEG, SEG)],
                    deg_out.at[c, pl.ds(s * SEG, SEG)])


def _sc_agg(y_hbm, src_hbm, dst_hbm, zrow_hbm, agg_out, acc, y_sp, src_v,
            dst_v, buf_v):
    c = lax.axis_index("c")
    s = lax.axis_index("s")

    pltpu.sync_copy(y_hbm.at[c, pl.ds(s * SEG, SEG)],
                    y_sp.at[pl.ds(s * SEG, SEG)])
    pltpu.sync_copy(zrow_hbm, acc.at[pl.ds(s * SEG, SEG)])
    plsc.subcore_barrier()

    pltpu.sync_copy(src_hbm.at[s], src_v)
    pltpu.sync_copy(dst_hbm.at[s], dst_v)

    def step(j, carry):
        pltpu.sync_copy(y_sp.at[src_v.at[j]], buf_v)
        pltpu.sync_copy(buf_v, acc.at[dst_v.at[j]], add=True)
        return carry

    lax.fori_loop(0, CH_A, step, 0)
    plsc.subcore_barrier()

    pltpu.sync_copy(acc.at[pl.ds(s * SEG, SEG)],
                    agg_out.at[c, pl.ds(s * SEG, SEG)])


_deg_kernel = pl.kernel(
    _sc_degree,
    out_type=jax.ShapeDtypeStruct((NC, ROWS, 16), _f32),
    mesh=_mesh,
    compiler_params=pltpu.CompilerParams(use_tc_tiling_on_sc=False),
    scratch_types=[
        pltpu.VMEM_SHARED((ROWS, 16), _f32),
        pltpu.VMEM((CHUNK, 16), _f32),
        pltpu.VMEM((CH_D, CHUNK), jnp.int32),
    ],
)

_agg_kernel = pl.kernel(
    _sc_agg,
    out_type=jax.ShapeDtypeStruct((NC, ROWS, HD), _f32),
    mesh=_mesh,
    compiler_params=pltpu.CompilerParams(use_tc_tiling_on_sc=False),
    scratch_types=[
        pltpu.VMEM_SHARED((ROWS, HD), _f32),
        pltpu.VMEM_SHARED((ROWS, HD), _f32),
        pltpu.VMEM((CH_A, CHUNK), jnp.int32),
        pltpu.VMEM((CH_A, CHUNK), jnp.int32),
        pltpu.VMEM((CHUNK, HD), _f32),
    ],
)


_BR = 2528
_GRID = ROWS // _BR


def _mm(a, w):
    return lax.dot_general(a, w, (((1,), (1,)), ((), ())),
                           preferred_element_type=_f32,
                           precision=lax.Precision.HIGHEST)


def _split(y, ref):
    ref[0] = y[:, :HD]
    ref[1] = y[:, HD:]


def _tc_stage0(degp, x, w1, y1, dv):
    deg = degp[0, :, 0] + degp[1, :, 0] + 1.0
    dinv = lax.rsqrt(deg)[:, None]
    dv[...] = jnp.broadcast_to(dinv, (_BR, 16))
    _split(_mm(x[...], w1[...]) * dinv, y1)


def _tc_mid(aggp, yp, dvb, w, b, g, be, ynext):
    dinv = dvb[:, 0:1]
    agg = jnp.concatenate([aggp[0] + yp[0], aggp[1] + yp[1]], axis=-1)
    conv = agg * dinv + b[...]
    z = jnp.maximum(g[...] * conv * BN_SCALE + be[...], 0.0)
    _split(_mm(z, w[...]) * dinv, ynext)


def _tc_final(aggp, yp, dvb, b, x, out):
    dinv = dvb[:, 0:1]
    agg = jnp.concatenate([aggp[0] + yp[0], aggp[1] + yp[1]], axis=-1)
    out[...] = agg * dinv + b[...] + x[...]


def _row_spec(bl=D):
    return pl.BlockSpec((_BR, bl), lambda i: (i, 0))


def _full_spec(shape):
    return pl.BlockSpec(shape, lambda i: tuple(0 for _ in shape))


def _slab_spec(bl=HD):
    return pl.BlockSpec((NC, _BR, bl), lambda i: (0, i, 0))


_y_shape = jax.ShapeDtypeStruct((NC, ROWS, HD), _f32)

_stage0 = pl.pallas_call(
    _tc_stage0,
    grid=(_GRID,),
    in_specs=[_slab_spec(16), _row_spec(), _full_spec((D, D))],
    out_specs=[_slab_spec(), _row_spec(16)],
    out_shape=[_y_shape, jax.ShapeDtypeStruct((ROWS, 16), _f32)],
)

_stage_mid = pl.pallas_call(
    _tc_mid,
    grid=(_GRID,),
    in_specs=[_slab_spec(), _slab_spec(), _row_spec(16), _full_spec((D, D)),
              _full_spec((1, D)), _full_spec((1, D)), _full_spec((1, D))],
    out_specs=_slab_spec(),
    out_shape=_y_shape,
)

_stage_final = pl.pallas_call(
    _tc_final,
    grid=(_GRID,),
    in_specs=[_slab_spec(), _slab_spec(), _row_spec(16), _full_spec((1, D)),
              _row_spec()],
    out_specs=_row_spec(),
    out_shape=jax.ShapeDtypeStruct((ROWS, D), _f32),
)


def _pad_edges(a, pad_val, nw, ch):
    pad = nw * ch * CHUNK - E
    return jnp.concatenate(
        [a, jnp.full((pad,), pad_val, jnp.int32)]).reshape(nw, ch, CHUNK)


@jax.jit
def kernel(x, edge_index, W1, b1, g1, be1, W2, b2, g2, be2, W3, b3):
    src = edge_index[0]
    dst = edge_index[1]
    dst_d = _pad_edges(dst, N, NW, CH_D)
    src_a = _pad_edges(src, 0, NS, CH_A)
    dst_a = _pad_edges(dst, N, NS, CH_A)
    x_p = jnp.concatenate([x, jnp.zeros((ROWS - N, D), _f32)], axis=0)

    b1r = b1.reshape(1, D)
    g1r = g1.reshape(1, D)
    be1r = be1.reshape(1, D)
    b2r = b2.reshape(1, D)
    g2r = g2.reshape(1, D)
    be2r = be2.reshape(1, D)
    b3r = b3.reshape(1, D)

    zrow = jnp.zeros((SEG, 16), _f32)
    zrow64 = jnp.zeros((SEG, HD), _f32)
    onehot = jnp.zeros((CHUNK, 16), _f32).at[:, 0].set(1.0)
    degp = _deg_kernel(dst_d, zrow, onehot)
    y1, dvb = _stage0(degp, x_p, W1)
    p1 = _agg_kernel(y1, src_a, dst_a, zrow64)
    y2 = _stage_mid(p1, y1, dvb, W2, b1r, g1r, be1r)
    p2 = _agg_kernel(y2, src_a, dst_a, zrow64)
    y3 = _stage_mid(p2, y2, dvb, W3, b2r, g2r, be2r)
    p3 = _agg_kernel(y3, src_a, dst_a, zrow64)
    out = _stage_final(p3, y3, dvb, b3r, x_p)
    return out[:N]

# --- scband reference (transcript-rebuilt; emitter-appended) ---
"""Pipeline reference for scband-drug-gcn-26817775796788 (READ-ONLY COPY).

The authoritative reference and input builder live on the scoring server;
editing this copy changes nothing except your own understanding.
"""

import jax, jax.numpy as jnp
import numpy as np

N = 10000
E = 320000
D_IN = 128
D_HID = 128
D_OUT = 128
BN_EPS = 1e-5


def setup_inputs(seed: int = 0) -> dict:
    key = jax.random.key(seed)
    ks = jax.random.split(key, 16)
    x = jax.random.normal(ks[0], (N, D_IN), dtype=jnp.float32)
    edge_index = jax.random.randint(ks[1], (2, E), 0, N, dtype=jnp.int32)
    s1 = 1.0 / np.sqrt(D_IN)
    s2 = 1.0 / np.sqrt(D_HID)
    W1 = jax.random.normal(ks[2], (D_HID, D_IN), dtype=jnp.float32) * s1
    b1 = jnp.zeros((D_HID,), dtype=jnp.float32)
    g1 = jnp.ones((D_HID,), dtype=jnp.float32)
    be1 = jnp.zeros((D_HID,), dtype=jnp.float32)
    W2 = jax.random.normal(ks[3], (D_HID, D_HID), dtype=jnp.float32) * s2
    b2 = jnp.zeros((D_HID,), dtype=jnp.float32)
    g2 = jnp.ones((D_HID,), dtype=jnp.float32)
    be2 = jnp.zeros((D_HID,), dtype=jnp.float32)
    W3 = jax.random.normal(ks[4], (D_OUT, D_HID), dtype=jnp.float32) * s2
    b3 = jnp.zeros((D_OUT,), dtype=jnp.float32)
    return {"x": x, "edge_index": edge_index,
            "W1": W1, "b1": b1, "g1": g1, "be1": be1,
            "W2": W2, "b2": b2, "g2": g2, "be2": be2,
            "W3": W3, "b3": b3}


def _gcn_conv(x, src, dst, norm, W, b):
    # PyG GCNConv: h = X W^T, symmetric-normalized aggregation over A + I, then + bias
    h = x @ W.T
    msg = h[src] * norm[:, None]
    out = jnp.zeros((N, h.shape[1]), dtype=h.dtype).at[dst].add(msg)
    return out + b


def _build_norm(edge_index):
    sl = jnp.arange(N, dtype=edge_index.dtype)
    src = jnp.concatenate([edge_index[0], sl])
    dst = jnp.concatenate([edge_index[1], sl])
    deg = jnp.zeros((N,), dtype=jnp.float32).at[dst].add(1.0)
    dinv = jnp.where(deg > 0, 1.0 / jnp.sqrt(deg), 0.0)
    norm = dinv[src] * dinv[dst]
    return src, dst, norm


def _bn_eval(x, gamma, beta):
    # eval-mode BatchNorm1d with running_mean=0, running_var=1
    return gamma * x / jnp.sqrt(1.0 + BN_EPS) + beta


def reference(x, edge_index, W1, b1, g1, be1, W2, b2, g2, be2, W3, b3):
    src, dst, norm = _build_norm(edge_index)
    residual = x  # in_feats == out_feats -> nn.Identity()
    h = jax.nn.relu(_bn_eval(_gcn_conv(x, src, dst, norm, W1, b1), g1, be1))
    # dropout is identity in eval mode
    h = jax.nn.relu(_bn_eval(_gcn_conv(h, src, dst, norm, W2, b2), g2, be2))
    h = _gcn_conv(h, src, dst, norm, W3, b3)
    out = h + residual[: h.shape[0]]
    return out

if __name__ == "__main__":
    import jax
    _d = setup_inputs()
    print(jax.jit(kernel)(*tuple(_d.values())))

</pallas_src>

<mosaic_0001>
#map = affine_map<(d0, d1) -> (0, 0, 0)>
#map1 = affine_map<(d0, d1) -> (0, 0)>
module attributes {stable_mosaic.version = 14 : i64} {
  func.func @_sc_agg(%arg0: i32, %arg1: i32, %arg2: memref<2x10112x64xf32, #tpu.memory_space<hbm>>, %arg3: memref<16x157x128xi32, #tpu.memory_space<hbm>>, %arg4: memref<16x157x128xi32, #tpu.memory_space<hbm>>, %arg5: memref<632x64xf32, #tpu.memory_space<hbm>>, %arg6: memref<2x10112x64xf32, #tpu.memory_space<hbm>>, %arg7: memref<10112x64xf32, #tpu.memory_space<vmem_shared>>, %arg8: memref<10112x64xf32, #tpu.memory_space<vmem_shared>>, %arg9: memref<157x128xi32, #tpu.memory_space<vmem>>, %arg10: memref<157x128xi32, #tpu.memory_space<vmem>>, %arg11: memref<128x64xf32, #tpu.memory_space<vmem>>) attributes {dimension_semantics = [#tpu.dimension_semantics<core_parallel>, #tpu.dimension_semantics<subcore_parallel>], iteration_bounds = array<i64: 2, 16>, scalar_prefetch = 0 : i64, scratch_operands = 5 : i64, tpu.core_type = #tpu.core_type<sc_vector_subcore>, window_params = [{transform_indices = #map}, {transform_indices = #map}, {transform_indices = #map}, {transform_indices = #map1}, {transform_indices = #map}]} {
    %mul3A = arith.constant 632 : i32
    %mul3A_0 = arith.muli %arg1, %mul3A : i32
    %mul3A_1 = arith.constant 632 : i32
    %mul3A_2 = arith.muli %arg1, %mul3A_1 : i32
    "tpu.region"() ({
      %run_scoped3A = tpu.sem_alloc : memref<!tpu.dma_semaphore, #tpu.memory_space<semaphore_mem>>
      %dma_start3A = arith.constant 0 : i32
      %dma_start3A_15 = tpu.memref_slice %arg8[%mul3A_2, %dma_start3A] : memref<10112x64xf32, #tpu.memory_space<vmem_shared>> -> memref<632x64xf32, #tpu.memory_space<vmem_shared>>
      %dma_start3A_16 = arith.constant 0 : i32
      %dma_start3A_17 = tpu.memref_slice %arg2[%arg0, %mul3A_0, %dma_start3A_16] : memref<2x10112x64xf32, #tpu.memory_space<hbm>> -> memref<1x632x64xf32, #tpu.memory_space<hbm>>
      %dma_start3A_18 = tpu.memref_squeeze %dma_start3A_17 : memref<1x632x64xf32, #tpu.memory_space<hbm>> -> memref<632x64xf32, #tpu.memory_space<hbm>>
      tpu.enqueue_dma source(%dma_start3A_18 : memref<632x64xf32, #tpu.memory_space<hbm>>) target(%dma_start3A_15 : memref<632x64xf32, #tpu.memory_space<vmem_shared>>) target_semaphore(%run_scoped3A : memref<!tpu.dma_semaphore, #tpu.memory_space<semaphore_mem>>)
      %dma_wait3A = arith.constant 0 : i32
      %dma_wait3A_19 = tpu.memref_slice %arg8[%mul3A_2, %dma_wait3A] : memref<10112x64xf32, #tpu.memory_space<vmem_shared>> -> memref<632x64xf32, #tpu.memory_space<vmem_shared>>
      %dma_wait3A_20 = arith.constant 0 : i32
      %dma_wait3A_21 = tpu.memref_slice %arg2[%arg0, %mul3A_0, %dma_wait3A_20] : memref<2x10112x64xf32, #tpu.memory_space<hbm>> -> memref<1x632x64xf32, #tpu.memory_space<hbm>>
      %dma_wait3A_22 = tpu.memref_squeeze %dma_wait3A_21 : memref<1x632x64xf32, #tpu.memory_space<hbm>> -> memref<632x64xf32, #tpu.memory_space<hbm>>
      tpu.wait_dma2 semaphore(%run_scoped3A : memref<!tpu.dma_semaphore, #tpu.memory_space<semaphore_mem>>) src(%dma_wait3A_22 : memref<632x64xf32, #tpu.memory_space<hbm>>) dst(%dma_wait3A_19 : memref<632x64xf32, #tpu.memory_space<vmem_shared>>)
      tpu.yield
    }) : () -> ()
    %mul3A_3 = arith.constant 632 : i32
    %mul3A_4 = arith.muli %arg1, %mul3A_3 : i32
    "tpu.region"() ({
      %run_scoped3A = tpu.sem_alloc : memref<!tpu.dma_semaphore, #tpu.memory_space<semaphore_mem>>
      %dma_start3A = arith.constant 0 : i32
      %dma_start3A_15 = tpu.memref_slice %arg7[%mul3A_4, %dma_start3A] : memref<10112x64xf32, #tpu.memory_space<vmem_shared>> -> memref<632x64xf32, #tpu.memory_space<vmem_shared>>
      tpu.enqueue_dma source(%arg5 : memref<632x64xf32, #tpu.memory_space<hbm>>) target(%dma_start3A_15 : memref<632x64xf32, #tpu.memory_space<vmem_shared>>) target_semaphore(%run_scoped3A : memref<!tpu.dma_semaphore, #tpu.memory_space<semaphore_mem>>)
      %dma_wait3A = arith.constant 0 : i32
      %dma_wait3A_16 = tpu.memref_slice %arg7[%mul3A_4, %dma_wait3A] : memref<10112x64xf32, #tpu.memory_space<vmem_shared>> -> memref<632x64xf32, #tpu.memory_space<vmem_shared>>
      tpu.wait_dma2 semaphore(%run_scoped3A : memref<!tpu.dma_semaphore, #tpu.memory_space<semaphore_mem>>) src(%arg5 : memref<632x64xf32, #tpu.memory_space<hbm>>) dst(%dma_wait3A_16 : memref<632x64xf32, #tpu.memory_space<vmem_shared>>)
      tpu.yield
    }) : () -> ()
    %barrier3A = arith.constant 0 : index
    tpu.barrier barrier_id(%barrier3A)
    "tpu.region"() ({
      %run_scoped3A = tpu.sem_alloc : memref<!tpu.dma_semaphore, #tpu.memory_space<semaphore_mem>>
      %dma_start3A = arith.constant 0 : i32
      %dma_start3A_15 = arith.constant 0 : i32
      %dma_start3A_16 = tpu.memref_slice %arg3[%arg1, %dma_start3A, %dma_start3A_15] : memref<16x157x128xi32, #tpu.memory_space<hbm>> -> memref<1x157x128xi32, #tpu.memory_space<hbm>>
      %dma_start3A_17 = tpu.memref_squeeze %dma_start3A_16 : memref<1x157x128xi32, #tpu.memory_space<hbm>> -> memref<157x128xi32, #tpu.memory_space<hbm>>
      %dma_start3A_18 = arith.constant 0 : i32
      %dma_start3A_19 = arith.constant 0 : i32
      %dma_start3A_20 = tpu.memref_slice %arg3[%arg1, %dma_start3A_18, %dma_start3A_19] : memref<16x157x128xi32, #tpu.memory_space<hbm>> -> memref<1x157x128xi32, #tpu.memory_space<hbm>>
      %dma_start3A_21 = tpu.memref_squeeze %dma_start3A_20 : memref<1x157x128xi32, #tpu.memory_space<hbm>> -> memref<157x128xi32, #tpu.memory_space<hbm>>
      tpu.enqueue_dma source(%dma_start3A_21 : memref<157x128xi32, #tpu.memory_space<hbm>>) target(%arg9 : memref<157x128xi32, #tpu.memory_space<vmem>>) target_semaphore(%run_scoped3A : memref<!tpu.dma_semaphore, #tpu.memory_space<semaphore_mem>>)
      %dma_wait3A = arith.constant 0 : i32
      %dma_wait3A_22 = arith.constant 0 : i32
      %dma_wait3A_23 = tpu.memref_slice %arg3[%arg1, %dma_wait3A, %dma_wait3A_22] : memref<16x157x128xi32, #tpu.memory_space<hbm>> -> memref<1x157x128xi32, #tpu.memory_space<hbm>>
      %dma_wait3A_24 = tpu.memref_squeeze %dma_wait3A_23 : memref<1x157x128xi32, #tpu.memory_space<hbm>> -> memref<157x128xi32, #tpu.memory_space<hbm>>
      %dma_wait3A_25 = arith.constant 0 : i32
      %dma_wait3A_26 = arith.constant 0 : i32
      %dma_wait3A_27 = tpu.memref_slice %arg3[%arg1, %dma_wait3A_25, %dma_wait3A_26] : memref<16x157x128xi32, #tpu.memory_space<hbm>> -> memref<1x157x128xi32, #tpu.memory_space<hbm>>
      %dma_wait3A_28 = tpu.memref_squeeze %dma_wait3A_27 : memref<1x157x128xi32, #tpu.memory_space<hbm>> -> memref<157x128xi32, #tpu.memory_space<hbm>>
      tpu.wait_dma2 semaphore(%run_scoped3A : memref<!tpu.dma_semaphore, #tpu.memory_space<semaphore_mem>>) src(%dma_wait3A_28 : memref<157x128xi32, #tpu.memory_space<hbm>>) dst(%arg9 : memref<157x128xi32, #tpu.memory_space<vmem>>)
      tpu.yield
    }) : () -> ()
    "tpu.region"() ({
      %run_scoped3A = tpu.sem_alloc : memref<!tpu.dma_semaphore, #tpu.memory_space<semaphore_mem>>
      %dma_start3A = arith.constant 0 : i32
      %dma_start3A_15 = arith.constant 0 : i32
      %dma_start3A_16 = tpu.memref_slice %arg4[%arg1, %dma_start3A, %dma_start3A_15] : memref<16x157x128xi32, #tpu.memory_space<hbm>> -> memref<1x157x128xi32, #tpu.memory_space<hbm>>
      %dma_start3A_17 = tpu.memref_squeeze %dma_start3A_16 : memref<1x157x128xi32, #tpu.memory_space<hbm>> -> memref<157x128xi32, #tpu.memory_space<hbm>>
      %dma_start3A_18 = arith.constant 0 : i32
      %dma_start3A_19 = arith.constant 0 : i32
      %dma_start3A_20 = tpu.memref_slice %arg4[%arg1, %dma_start3A_18, %dma_start3A_19] : memref<16x157x128xi32, #tpu.memory_space<hbm>> -> memref<1x157x128xi32, #tpu.memory_space<hbm>>
      %dma_start3A_21 = tpu.memref_squeeze %dma_start3A_20 : memref<1x157x128xi32, #tpu.memory_space<hbm>> -> memref<157x128xi32, #tpu.memory_space<hbm>>
      tpu.enqueue_dma source(%dma_start3A_21 : memref<157x128xi32, #tpu.memory_space<hbm>>) target(%arg10 : memref<157x128xi32, #tpu.memory_space<vmem>>) target_semaphore(%run_scoped3A : memref<!tpu.dma_semaphore, #tpu.memory_space<semaphore_mem>>)
      %dma_wait3A = arith.constant 0 : i32
      %dma_wait3A_22 = arith.constant 0 : i32
      %dma_wait3A_23 = tpu.memref_slice %arg4[%arg1, %dma_wait3A, %dma_wait3A_22] : memref<16x157x128xi32, #tpu.memory_space<hbm>> -> memref<1x157x128xi32, #tpu.memory_space<hbm>>
      %dma_wait3A_24 = tpu.memref_squeeze %dma_wait3A_23 : memref<1x157x128xi32, #tpu.memory_space<hbm>> -> memref<157x128xi32, #tpu.memory_space<hbm>>
      %dma_wait3A_25 = arith.constant 0 : i32
      %dma_wait3A_26 = arith.constant 0 : i32
      %dma_wait3A_27 = tpu.memref_slice %arg4[%arg1, %dma_wait3A_25, %dma_wait3A_26] : memref<16x157x128xi32, #tpu.memory_space<hbm>> -> memref<1x157x128xi32, #tpu.memory_space<hbm>>
      %dma_wait3A_28 = tpu.memref_squeeze %dma_wait3A_27 : memref<1x157x128xi32, #tpu.memory_space<hbm>> -> memref<157x128xi32, #tpu.memory_space<hbm>>
      tpu.wait_dma2 semaphore(%run_scoped3A : memref<!tpu.dma_semaphore, #tpu.memory_space<semaphore_mem>>) src(%dma_wait3A_28 : memref<157x128xi32, #tpu.memory_space<hbm>>) dst(%arg10 : memref<157x128xi32, #tpu.memory_space<vmem>>)
      tpu.yield
    }) : () -> ()
    %scan3A = arith.constant 0 : i32
    %scan3A_5 = arith.constant 0 : i32
    %scan3A_6 = arith.constant 157 : i32
    %scan3A_7 = arith.addi %scan3A_5, %scan3A_6 : i32
    %scan3A_8 = arith.constant 1 : i32
    scf.for %scan3A_15 = %scan3A_5 to %scan3A_7 step %scan3A_8  : i32 {
      "tpu.region"() ({
        %run_scoped3A = tpu.sem_alloc : memref<!tpu.dma_semaphore, #tpu.memory_space<semaphore_mem>>
        %dma_start3A = arith.constant 0 : i32
        %dma_start3A_16 = tpu.memref_slice %arg9[%scan3A_15, %dma_start3A] : memref<157x128xi32, #tpu.memory_space<vmem>> -> memref<1x128xi32, #tpu.memory_space<vmem>>
        %dma_start3A_17 = tpu.memref_squeeze %dma_start3A_16 : memref<1x128xi32, #tpu.memory_space<vmem>> -> memref<128xi32, #tpu.memory_space<vmem>>
        %dma_start3A_18 = arith.constant 0 : i32
        %dma_start3A_19 = arith.constant 0 : i32
        %dma_start3A_20 = tpu.memref_slice %arg8[%dma_start3A_18, %dma_start3A_19] : memref<10112x64xf32, #tpu.memory_space<vmem_shared>> -> memref<10112x64xf32, #tpu.memory_space<vmem_shared>>
        tpu.enqueue_indirect_dma source(%dma_start3A_20 : memref<10112x64xf32, #tpu.memory_space<vmem_shared>>) target(%arg11 : memref<128x64xf32, #tpu.memory_space<vmem>>) offsets(%dma_start3A_17 : memref<128xi32, #tpu.memory_space<vmem>>) semaphore(%run_scoped3A : memref<!tpu.dma_semaphore, #tpu.memory_space<semaphore_mem>>)
        %dma_wait3A = arith.constant 0 : i32
        %dma_wait3A_21 = tpu.memref_slice %arg9[%scan3A_15, %dma_wait3A] : memref<157x128xi32, #tpu.memory_space<vmem>> -> memref<1x128xi32, #tpu.memory_space<vmem>>
        %dma_wait3A_22 = tpu.memref_squeeze %dma_wait3A_21 : memref<1x128xi32, #tpu.memory_space<vmem>> -> memref<128xi32, #tpu.memory_space<vmem>>
        %dma_wait3A_23 = arith.constant 0 : i32
        %dma_wait3A_24 = arith.constant 0 : i32
        %dma_wait3A_25 = tpu.memref_slice %arg8[%dma_wait3A_23, %dma_wait3A_24] : memref<10112x64xf32, #tpu.memory_space<vmem_shared>> -> memref<10112x64xf32, #tpu.memory_space<vmem_shared>>
        tpu.wait_indirect_dma semaphore(%run_scoped3A : memref<!tpu.dma_semaphore, #tpu.memory_space<semaphore_mem>>) src(%dma_wait3A_25 : memref<10112x64xf32, #tpu.memory_space<vmem_shared>>) dst(%arg11 : memref<128x64xf32, #tpu.memory_space<vmem>>)
        tpu.yield
      }) : () -> ()
      "tpu.region"() ({
        %run_scoped3A = tpu.sem_alloc : memref<!tpu.dma_semaphore, #tpu.memory_space<semaphore_mem>>
        %dma_start3A = arith.constant 0 : i32
        %dma_start3A_16 = tpu.memref_slice %arg10[%scan3A_15, %dma_start3A] : memref<157x128xi32, #tpu.memory_space<vmem>> -> memref<1x128xi32, #tpu.memory_space<vmem>>
        %dma_start3A_17 = tpu.memref_squeeze %dma_start3A_16 : memref<1x128xi32, #tpu.memory_space<vmem>> -> memref<128xi32, #tpu.memory_space<vmem>>
        %dma_start3A_18 = arith.constant 0 : i32
        %dma_start3A_19 = arith.constant 0 : i32
        %dma_start3A_20 = tpu.memref_slice %arg7[%dma_start3A_18, %dma_start3A_19] : memref<10112x64xf32, #tpu.memory_space<vmem_shared>> -> memref<10112x64xf32, #tpu.memory_space<vmem_shared>>
        tpu.enqueue_indirect_dma source(%arg11 : memref<128x64xf32, #tpu.memory_space<vmem>>) target(%dma_start3A_20 : memref<10112x64xf32, #tpu.memory_space<vmem_shared>>) offsets(%dma_start3A_17 : memref<128xi32, #tpu.memory_space<vmem>>) semaphore(%run_scoped3A : memref<!tpu.dma_semaphore, #tpu.memory_space<semaphore_mem>>) {add = true}
        %dma_wait3A = arith.constant 0 : i32
        %dma_wait3A_21 = tpu.memref_slice %arg10[%scan3A_15, %dma_wait3A] : memref<157x128xi32, #tpu.memory_space<vmem>> -> memref<1x128xi32, #tpu.memory_space<vmem>>
        %dma_wait3A_22 = tpu.memref_squeeze %dma_wait3A_21 : memref<1x128xi32, #tpu.memory_space<vmem>> -> memref<128xi32, #tpu.memory_space<vmem>>
        %dma_wait3A_23 = arith.constant 0 : i32
        %dma_wait3A_24 = arith.constant 0 : i32
        %dma_wait3A_25 = tpu.memref_slice %arg7[%dma_wait3A_23, %dma_wait3A_24] : memref<10112x64xf32, #tpu.memory_space<vmem_shared>> -> memref<10112x64xf32, #tpu.memory_space<vmem_shared>>
        tpu.wait_indirect_dma semaphore(%run_scoped3A : memref<!tpu.dma_semaphore, #tpu.memory_space<semaphore_mem>>) src(%arg11 : memref<128x64xf32, #tpu.memory_space<vmem>>) dst(%dma_wait3A_25 : memref<10112x64xf32, #tpu.memory_space<vmem_shared>>)
        tpu.yield
      }) : () -> ()
    }
    %scan3A_9 = arith.constant 157 : i32
    %barrier3A_10 = arith.constant 0 : index
    tpu.barrier barrier_id(%barrier3A_10)
    %mul3A_11 = arith.constant 632 : i32
    %mul3A_12 = arith.muli %arg1, %mul3A_11 : i32
    %mul3A_13 = arith.constant 632 : i32
    %mul3A_14 = arith.muli %arg1, %mul3A_13 : i32
    "tpu.region"() ({
      %run_scoped3A = tpu.sem_alloc : memref<!tpu.dma_semaphore, #tpu.memory_space<semaphore_mem>>
      %dma_start3A = arith.constant 0 : i32
      %dma_start3A_15 = tpu.memref_slice %arg6[%arg0, %mul3A_14, %dma_start3A] : memref<2x10112x64xf32, #tpu.memory_space<hbm>> -> memref<1x632x64xf32, #tpu.memory_space<hbm>>
      %dma_start3A_16 = tpu.memref_squeeze %dma_start3A_15 : memref<1x632x64xf32, #tpu.memory_space<hbm>> -> memref<632x64xf32, #tpu.memory_space<hbm>>
      %dma_start3A_17 = arith.constant 0 : i32
      %dma_start3A_18 = tpu.memref_slice %arg7[%mul3A_12, %dma_start3A_17] : memref<10112x64xf32, #tpu.memory_space<vmem_shared>> -> memref<632x64xf32, #tpu.memory_space<vmem_shared>>
      tpu.enqueue_dma source(%dma_start3A_18 : memref<632x64xf32, #tpu.memory_space<vmem_shared>>) target(%dma_start3A_16 : memref<632x64xf32, #tpu.memory_space<hbm>>) target_semaphore(%run_scoped3A : memref<!tpu.dma_semaphore, #tpu.memory_space<semaphore_mem>>)
      %dma_wait3A = arith.constant 0 : i32
      %dma_wait3A_19 = tpu.memref_slice %arg6[%arg0, %mul3A_14, %dma_wait3A] : memref<2x10112x64xf32, #tpu.memory_space<hbm>> -> memref<1x632x64xf32, #tpu.memory_space<hbm>>
      %dma_wait3A_20 = tpu.memref_squeeze %dma_wait3A_19 : memref<1x632x64xf32, #tpu.memory_space<hbm>> -> memref<632x64xf32, #tpu.memory_space<hbm>>
      %dma_wait3A_21 = arith.constant 0 : i32
      %dma_wait3A_22 = tpu.memref_slice %arg7[%mul3A_12, %dma_wait3A_21] : memref<10112x64xf32, #tpu.memory_space<vmem_shared>> -> memref<632x64xf32, #tpu.memory_space<vmem_shared>>
      tpu.wait_dma2 semaphore(%run_scoped3A : memref<!tpu.dma_semaphore, #tpu.memory_space<semaphore_mem>>) src(%dma_wait3A_22 : memref<632x64xf32, #tpu.memory_space<vmem_shared>>) dst(%dma_wait3A_20 : memref<632x64xf32, #tpu.memory_space<hbm>>)
      tpu.yield
    }) : () -> ()
    return
  }
}

#map = affine_map<(d0, d1) -> (0, 0, 0)>
#map1 = affine_map<(d0, d1) -> (0, 0)>
module attributes {stable_mosaic.version = 14 : i64} {
  func.func @_sc_degree(%arg0: i32, %arg1: i32, %arg2: memref<32x79x128xi32, #tpu.memory_space<hbm>>, %arg3: memref<632x16xf32, #tpu.memory_space<hbm>>, %arg4: memref<128x16xf32, #tpu.memory_space<hbm>>, %arg5: memref<2x10112x16xf32, #tpu.memory_space<hbm>>, %arg6: memref<10112x16xf32, #tpu.memory_space<vmem_shared>>, %arg7: memref<128x16xf32, #tpu.memory_space<vmem>>, %arg8: memref<79x128xi32, #tpu.memory_space<vmem>>) attributes {dimension_semantics = [#tpu.dimension_semantics<core_parallel>, #tpu.dimension_semantics<subcore_parallel>], iteration_bounds = array<i64: 2, 16>, scalar_prefetch = 0 : i64, scratch_operands = 3 : i64, tpu.core_type = #tpu.core_type<sc_vector_subcore>, window_params = [{transform_indices = #map}, {transform_indices = #map1}, {transform_indices = #map1}, {transform_indices = #map}]} {
    %mul3A = arith.constant 16 : i32
    %mul3A_0 = arith.muli %arg0, %mul3A : i32
    %add3A = arith.addi %mul3A_0, %arg1 : i32
    "tpu.region"() ({
      %run_scoped3A = tpu.sem_alloc : memref<!tpu.dma_semaphore, #tpu.memory_space<semaphore_mem>>
      tpu.enqueue_dma source(%arg4 : memref<128x16xf32, #tpu.memory_space<hbm>>) target(%arg7 : memref<128x16xf32, #tpu.memory_space<vmem>>) target_semaphore(%run_scoped3A : memref<!tpu.dma_semaphore, #tpu.memory_space<semaphore_mem>>)
      tpu.wait_dma2 semaphore(%run_scoped3A : memref<!tpu.dma_semaphore, #tpu.memory_space<semaphore_mem>>) src(%arg4 : memref<128x16xf32, #tpu.memory_space<hbm>>) dst(%arg7 : memref<128x16xf32, #tpu.memory_space<vmem>>)
      tpu.yield
    }) : () -> ()
    %mul3A_1 = arith.constant 632 : i32
    %mul3A_2 = arith.muli %arg1, %mul3A_1 : i32
    "tpu.region"() ({
      %run_scoped3A = tpu.sem_alloc : memref<!tpu.dma_semaphore, #tpu.memory_space<semaphore_mem>>
      %dma_start3A = arith.constant 0 : i32
      %dma_start3A_13 = tpu.memref_slice %arg6[%mul3A_2, %dma_start3A] : memref<10112x16xf32, #tpu.memory_space<vmem_shared>> -> memref<632x16xf32, #tpu.memory_space<vmem_shared>>
      tpu.enqueue_dma source(%arg3 : memref<632x16xf32, #tpu.memory_space<hbm>>) target(%dma_start3A_13 : memref<632x16xf32, #tpu.memory_space<vmem_shared>>) target_semaphore(%run_scoped3A : memref<!tpu.dma_semaphore, #tpu.memory_space<semaphore_mem>>)
      %dma_wait3A = arith.constant 0 : i32
      %dma_wait3A_14 = tpu.memref_slice %arg6[%mul3A_2, %dma_wait3A] : memref<10112x16xf32, #tpu.memory_space<vmem_shared>> -> memref<632x16xf32, #tpu.memory_space<vmem_shared>>
      tpu.wait_dma2 semaphore(%run_scoped3A : memref<!tpu.dma_semaphore, #tpu.memory_space<semaphore_mem>>) src(%arg3 : memref<632x16xf32, #tpu.memory_space<hbm>>) dst(%dma_wait3A_14 : memref<632x16xf32, #tpu.memory_space<vmem_shared>>)
      tpu.yield
    }) : () -> ()
    %barrier3A = arith.constant 0 : index
    tpu.barrier barrier_id(%barrier3A)
    "tpu.region"() ({
      %run_scoped3A = tpu.sem_alloc : memref<!tpu.dma_semaphore, #tpu.memory_space<semaphore_mem>>
      %dma_start3A = arith.constant 0 : i32
      %dma_start3A_13 = arith.constant 0 : i32
      %dma_start3A_14 = tpu.memref_slice %arg2[%add3A, %dma_start3A, %dma_start3A_13] : memref<32x79x128xi32, #tpu.memory_space<hbm>> -> memref<1x79x128xi32, #tpu.memory_space<hbm>>
      %dma_start3A_15 = tpu.memref_squeeze %dma_start3A_14 : memref<1x79x128xi32, #tpu.memory_space<hbm>> -> memref<79x128xi32, #tpu.memory_space<hbm>>
      %dma_start3A_16 = arith.constant 0 : i32
      %dma_start3A_17 = arith.constant 0 : i32
      %dma_start3A_18 = tpu.memref_slice %arg2[%add3A, %dma_start3A_16, %dma_start3A_17] : memref<32x79x128xi32, #tpu.memory_space<hbm>> -> memref<1x79x128xi32, #tpu.memory_space<hbm>>
      %dma_start3A_19 = tpu.memref_squeeze %dma_start3A_18 : memref<1x79x128xi32, #tpu.memory_space<hbm>> -> memref<79x128xi32, #tpu.memory_space<hbm>>
      tpu.enqueue_dma source(%dma_start3A_19 : memref<79x128xi32, #tpu.memory_space<hbm>>) target(%arg8 : memref<79x128xi32, #tpu.memory_space<vmem>>) target_semaphore(%run_scoped3A : memref<!tpu.dma_semaphore, #tpu.memory_space<semaphore_mem>>)
      %dma_wait3A = arith.constant 0 : i32
      %dma_wait3A_20 = arith.constant 0 : i32
      %dma_wait3A_21 = tpu.memref_slice %arg2[%add3A, %dma_wait3A, %dma_wait3A_20] : memref<32x79x128xi32, #tpu.memory_space<hbm>> -> memref<1x79x128xi32, #tpu.memory_space<hbm>>
      %dma_wait3A_22 = tpu.memref_squeeze %dma_wait3A_21 : memref<1x79x128xi32, #tpu.memory_space<hbm>> -> memref<79x128xi32, #tpu.memory_space<hbm>>
      %dma_wait3A_23 = arith.constant 0 : i32
      %dma_wait3A_24 = arith.constant 0 : i32
      %dma_wait3A_25 = tpu.memref_slice %arg2[%add3A, %dma_wait3A_23, %dma_wait3A_24] : memref<32x79x128xi32, #tpu.memory_space<hbm>> -> memref<1x79x128xi32, #tpu.memory_space<hbm>>
      %dma_wait3A_26 = tpu.memref_squeeze %dma_wait3A_25 : memref<1x79x128xi32, #tpu.memory_space<hbm>> -> memref<79x128xi32, #tpu.memory_space<hbm>>
      tpu.wait_dma2 semaphore(%run_scoped3A : memref<!tpu.dma_semaphore, #tpu.memory_space<semaphore_mem>>) src(%dma_wait3A_26 : memref<79x128xi32, #tpu.memory_space<hbm>>) dst(%arg8 : memref<79x128xi32, #tpu.memory_space<vmem>>)
      tpu.yield
    }) : () -> ()
    %scan3A = arith.constant 0 : i32
    %scan3A_3 = arith.constant 0 : i32
    %scan3A_4 = arith.constant 79 : i32
    %scan3A_5 = arith.addi %scan3A_3, %scan3A_4 : i32
    %scan3A_6 = arith.constant 1 : i32
    scf.for %scan3A_13 = %scan3A_3 to %scan3A_5 step %scan3A_6  : i32 {
      "tpu.region"() ({
        %run_scoped3A = tpu.sem_alloc : memref<!tpu.dma_semaphore, #tpu.memory_space<semaphore_mem>>
        %dma_start3A = arith.constant 0 : i32
        %dma_start3A_14 = tpu.memref_slice %arg8[%scan3A_13, %dma_start3A] : memref<79x128xi32, #tpu.memory_space<vmem>> -> memref<1x128xi32, #tpu.memory_space<vmem>>
        %dma_start3A_15 = tpu.memref_squeeze %dma_start3A_14 : memref<1x128xi32, #tpu.memory_space<vmem>> -> memref<128xi32, #tpu.memory_space<vmem>>
        %dma_start3A_16 = arith.constant 0 : i32
        %dma_start3A_17 = arith.constant 0 : i32
        %dma_start3A_18 = tpu.memref_slice %arg6[%dma_start3A_16, %dma_start3A_17] : memref<10112x16xf32, #tpu.memory_space<vmem_shared>> -> memref<10112x16xf32, #tpu.memory_space<vmem_shared>>
        tpu.enqueue_indirect_dma source(%arg7 : memref<128x16xf32, #tpu.memory_space<vmem>>) target(%dma_start3A_18 : memref<10112x16xf32, #tpu.memory_space<vmem_shared>>) offsets(%dma_start3A_15 : memref<128xi32, #tpu.memory_space<vmem>>) semaphore(%run_scoped3A : memref<!tpu.dma_semaphore, #tpu.memory_space<semaphore_mem>>) {add = true}
        %dma_wait3A = arith.constant 0 : i32
        %dma_wait3A_19 = tpu.memref_slice %arg8[%scan3A_13, %dma_wait3A] : memref<79x128xi32, #tpu.memory_space<vmem>> -> memref<1x128xi32, #tpu.memory_space<vmem>>
        %dma_wait3A_20 = tpu.memref_squeeze %dma_wait3A_19 : memref<1x128xi32, #tpu.memory_space<vmem>> -> memref<128xi32, #tpu.memory_space<vmem>>
        %dma_wait3A_21 = arith.constant 0 : i32
        %dma_wait3A_22 = arith.constant 0 : i32
        %dma_wait3A_23 = tpu.memref_slice %arg6[%dma_wait3A_21, %dma_wait3A_22] : memref<10112x16xf32, #tpu.memory_space<vmem_shared>> -> memref<10112x16xf32, #tpu.memory_space<vmem_shared>>
        tpu.wait_indirect_dma semaphore(%run_scoped3A : memref<!tpu.dma_semaphore, #tpu.memory_space<semaphore_mem>>) src(%arg7 : memref<128x16xf32, #tpu.memory_space<vmem>>) dst(%dma_wait3A_23 : memref<10112x16xf32, #tpu.memory_space<vmem_shared>>)
        tpu.yield
      }) : () -> ()
    }
    %scan3A_7 = arith.constant 79 : i32
    %barrier3A_8 = arith.constant 0 : index
    tpu.barrier barrier_id(%barrier3A_8)
    %mul3A_9 = arith.constant 632 : i32
    %mul3A_10 = arith.muli %arg1, %mul3A_9 : i32
    %mul3A_11 = arith.constant 632 : i32
    %mul3A_12 = arith.muli %arg1, %mul3A_11 : i32
    "tpu.region"() ({
      %run_scoped3A = tpu.sem_alloc : memref<!tpu.dma_semaphore, #tpu.memory_space<semaphore_mem>>
      %dma_start3A = arith.constant 0 : i32
      %dma_start3A_13 = tpu.memref_slice %arg5[%arg0, %mul3A_12, %dma_start3A] : memref<2x10112x16xf32, #tpu.memory_space<hbm>> -> memref<1x632x16xf32, #tpu.memory_space<hbm>>
      %dma_start3A_14 = tpu.memref_squeeze %dma_start3A_13 : memref<1x632x16xf32, #tpu.memory_space<hbm>> -> memref<632x16xf32, #tpu.memory_space<hbm>>
      %dma_start3A_15 = arith.constant 0 : i32
      %dma_start3A_16 = tpu.memref_slice %arg6[%mul3A_10, %dma_start3A_15] : memref<10112x16xf32, #tpu.memory_space<vmem_shared>> -> memref<632x16xf32, #tpu.memory_space<vmem_shared>>
      tpu.enqueue_dma source(%dma_start3A_16 : memref<632x16xf32, #tpu.memory_space<vmem_shared>>) target(%dma_start3A_14 : memref<632x16xf32, #tpu.memory_space<hbm>>) target_semaphore(%run_scoped3A : memref<!tpu.dma_semaphore, #tpu.memory_space<semaphore_mem>>)
      %dma_wait3A = arith.constant 0 : i32
      %dma_wait3A_17 = tpu.memref_slice %arg5[%arg0, %mul3A_12, %dma_wait3A] : memref<2x10112x16xf32, #tpu.memory_space<hbm>> -> memref<1x632x16xf32, #tpu.memory_space<hbm>>
      %dma_wait3A_18 = tpu.memref_squeeze %dma_wait3A_17 : memref<1x632x16xf32, #tpu.memory_space<hbm>> -> memref<632x16xf32, #tpu.memory_space<hbm>>
      %dma_wait3A_19 = arith.constant 0 : i32
      %dma_wait3A_20 = tpu.memref_slice %arg6[%mul3A_10, %dma_wait3A_19] : memref<10112x16xf32, #tpu.memory_space<vmem_shared>> -> memref<632x16xf32, #tpu.memory_space<vmem_shared>>
      tpu.wait_dma2 semaphore(%run_scoped3A : memref<!tpu.dma_semaphore, #tpu.memory_space<semaphore_mem>>) src(%dma_wait3A_20 : memref<632x16xf32, #tpu.memory_space<vmem_shared>>) dst(%dma_wait3A_18 : memref<632x16xf32, #tpu.memory_space<hbm>>)
      tpu.yield
    }) : () -> ()
    return
  }
}

#map = affine_map<(d0, d1) -> (0, 0, 0)>
#map1 = affine_map<(d0, d1) -> (0, 0)>
module attributes {stable_mosaic.version = 14 : i64} {
  func.func @_sc_agg(%arg0: i32, %arg1: i32, %arg2: memref<2x10112x64xf32, #tpu.memory_space<hbm>>, %arg3: memref<16x157x128xi32, #tpu.memory_space<hbm>>, %arg4: memref<16x157x128xi32, #tpu.memory_space<hbm>>, %arg5: memref<632x64xf32, #tpu.memory_space<hbm>>, %arg6: memref<2x10112x64xf32, #tpu.memory_space<hbm>>, %arg7: memref<10112x64xf32, #tpu.memory_space<vmem_shared>>, %arg8: memref<10112x64xf32, #tpu.memory_space<vmem_shared>>, %arg9: memref<157x128xi32, #tpu.memory_space<vmem>>, %arg10: memref<157x128xi32, #tpu.memory_space<vmem>>, %arg11: memref<128x64xf32, #tpu.memory_space<vmem>>) attributes {dimension_semantics = [#tpu.dimension_semantics<core_parallel>, #tpu.dimension_semantics<subcore_parallel>], iteration_bounds = array<i64: 2, 16>, scalar_prefetch = 0 : i64, scratch_operands = 5 : i64, tpu.core_type = #tpu.core_type<sc_vector_subcore>, window_params = [{transform_indices = #map}, {transform_indices = #map}, {transform_indices = #map}, {transform_indices = #map1}, {transform_indices = #map}]} {
    %mul3A = arith.constant 632 : i32
    %mul3A_0 = arith.muli %arg1, %mul3A : i32
    %mul3A_1 = arith.constant 632 : i32
    %mul3A_2 = arith.muli %arg1, %mul3A_1 : i32
    "tpu.region"() ({
      %run_scoped3A = tpu.sem_alloc : memref<!tpu.dma_semaphore, #tpu.memory_space<semaphore_mem>>
      %dma_start3A = arith.constant 0 : i32
      %dma_start3A_15 = tpu.memref_slice %arg8[%mul3A_2, %dma_start3A] : memref<10112x64xf32, #tpu.memory_space<vmem_shared>> -> memref<632x64xf32, #tpu.memory_space<vmem_shared>>
      %dma_start3A_16 = arith.constant 0 : i32
      %dma_start3A_17 = tpu.memref_slice %arg2[%arg0, %mul3A_0, %dma_start3A_16] : memref<2x10112x64xf32, #tpu.memory_space<hbm>> -> memref<1x632x64xf32, #tpu.memory_space<hbm>>
      %dma_start3A_18 = tpu.memref_squeeze %dma_start3A_17 : memref<1x632x64xf32, #tpu.memory_space<hbm>> -> memref<632x64xf32, #tpu.memory_space<hbm>>
      tpu.enqueue_dma source(%dma_start3A_18 : memref<632x64xf32, #tpu.memory_space<hbm>>) target(%dma_start3A_15 : memref<632x64xf32, #tpu.memory_space<vmem_shared>>) target_semaphore(%run_scoped3A : memref<!tpu.dma_semaphore, #tpu.memory_space<semaphore_mem>>)
      %dma_wait3A = arith.constant 0 : i32
      %dma_wait3A_19 = tpu.memref_slice %arg8[%mul3A_2, %dma_wait3A] : memref<10112x64xf32, #tpu.memory_space<vmem_shared>> -> memref<632x64xf32, #tpu.memory_space<vmem_shared>>
      %dma_wait3A_20 = arith.constant 0 : i32
      %dma_wait3A_21 = tpu.memref_slice %arg2[%arg0, %mul3A_0, %dma_wait3A_20] : memref<2x10112x64xf32, #tpu.memory_space<hbm>> -> memref<1x632x64xf32, #tpu.memory_space<hbm>>
      %dma_wait3A_22 = tpu.memref_squeeze %dma_wait3A_21 : memref<1x632x64xf32, #tpu.memory_space<hbm>> -> memref<632x64xf32, #tpu.memory_space<hbm>>
      tpu.wait_dma2 semaphore(%run_scoped3A : memref<!tpu.dma_semaphore, #tpu.memory_space<semaphore_mem>>) src(%dma_wait3A_22 : memref<632x64xf32, #tpu.memory_space<hbm>>) dst(%dma_wait3A_19 : memref<632x64xf32, #tpu.memory_space<vmem_shared>>)
      tpu.yield
    }) : () -> ()
    %mul3A_3 = arith.constant 632 : i32
    %mul3A_4 = arith.muli %arg1, %mul3A_3 : i32
    "tpu.region"() ({
      %run_scoped3A = tpu.sem_alloc : memref<!tpu.dma_semaphore, #tpu.memory_space<semaphore_mem>>
      %dma_start3A = arith.constant 0 : i32
      %dma_start3A_15 = tpu.memref_slice %arg7[%mul3A_4, %dma_start3A] : memref<10112x64xf32, #tpu.memory_space<vmem_shared>> -> memref<632x64xf32, #tpu.memory_space<vmem_shared>>
      tpu.enqueue_dma source(%arg5 : memref<632x64xf32, #tpu.memory_space<hbm>>) target(%dma_start3A_15 : memref<632x64xf32, #tpu.memory_space<vmem_shared>>) target_semaphore(%run_scoped3A : memref<!tpu.dma_semaphore, #tpu.memory_space<semaphore_mem>>)
      %dma_wait3A = arith.constant 0 : i32
      %dma_wait3A_16 = tpu.memref_slice %arg7[%mul3A_4, %dma_wait3A] : memref<10112x64xf32, #tpu.memory_space<vmem_shared>> -> memref<632x64xf32, #tpu.memory_space<vmem_shared>>
      tpu.wait_dma2 semaphore(%run_scoped3A : memref<!tpu.dma_semaphore, #tpu.memory_space<semaphore_mem>>) src(%arg5 : memref<632x64xf32, #tpu.memory_space<hbm>>) dst(%dma_wait3A_16 : memref<632x64xf32, #tpu.memory_space<vmem_shared>>)
      tpu.yield
    }) : () -> ()
    %barrier3A = arith.constant 0 : index
    tpu.barrier barrier_id(%barrier3A)
    "tpu.region"() ({
      %run_scoped3A = tpu.sem_alloc : memref<!tpu.dma_semaphore, #tpu.memory_space<semaphore_mem>>
      %dma_start3A = arith.constant 0 : i32
      %dma_start3A_15 = arith.constant 0 : i32
      %dma_start3A_16 = tpu.memref_slice %arg3[%arg1, %dma_start3A, %dma_start3A_15] : memref<16x157x128xi32, #tpu.memory_space<hbm>> -> memref<1x157x128xi32, #tpu.memory_space<hbm>>
      %dma_start3A_17 = tpu.memref_squeeze %dma_start3A_16 : memref<1x157x128xi32, #tpu.memory_space<hbm>> -> memref<157x128xi32, #tpu.memory_space<hbm>>
      %dma_start3A_18 = arith.constant 0 : i32
      %dma_start3A_19 = arith.constant 0 : i32
      %dma_start3A_20 = tpu.memref_slice %arg3[%arg1, %dma_start3A_18, %dma_start3A_19] : memref<16x157x128xi32, #tpu.memory_space<hbm>> -> memref<1x157x128xi32, #tpu.memory_space<hbm>>
      %dma_start3A_21 = tpu.memref_squeeze %dma_start3A_20 : memref<1x157x128xi32, #tpu.memory_space<hbm>> -> memref<157x128xi32, #tpu.memory_space<hbm>>
      tpu.enqueue_dma source(%dma_start3A_21 : memref<157x128xi32, #tpu.memory_space<hbm>>) target(%arg9 : memref<157x128xi32, #tpu.memory_space<vmem>>) target_semaphore(%run_scoped3A : memref<!tpu.dma_semaphore, #tpu.memory_space<semaphore_mem>>)
      %dma_wait3A = arith.constant 0 : i32
      %dma_wait3A_22 = arith.constant 0 : i32
      %dma_wait3A_23 = tpu.memref_slice %arg3[%arg1, %dma_wait3A, %dma_wait3A_22] : memref<16x157x128xi32, #tpu.memory_space<hbm>> -> memref<1x157x128xi32, #tpu.memory_space<hbm>>
      %dma_wait3A_24 = tpu.memref_squeeze %dma_wait3A_23 : memref<1x157x128xi32, #tpu.memory_space<hbm>> -> memref<157x128xi32, #tpu.memory_space<hbm>>
      %dma_wait3A_25 = arith.constant 0 : i32
      %dma_wait3A_26 = arith.constant 0 : i32
      %dma_wait3A_27 = tpu.memref_slice %arg3[%arg1, %dma_wait3A_25, %dma_wait3A_26] : memref<16x157x128xi32, #tpu.memory_space<hbm>> -> memref<1x157x128xi32, #tpu.memory_space<hbm>>
      %dma_wait3A_28 = tpu.memref_squeeze %dma_wait3A_27 : memref<1x157x128xi32, #tpu.memory_space<hbm>> -> memref<157x128xi32, #tpu.memory_space<hbm>>
      tpu.wait_dma2 semaphore(%run_scoped3A : memref<!tpu.dma_semaphore, #tpu.memory_space<semaphore_mem>>) src(%dma_wait3A_28 : memref<157x128xi32, #tpu.memory_space<hbm>>) dst(%arg9 : memref<157x128xi32, #tpu.memory_space<vmem>>)
      tpu.yield
    }) : () -> ()
    "tpu.region"() ({
      %run_scoped3A = tpu.sem_alloc : memref<!tpu.dma_semaphore, #tpu.memory_space<semaphore_mem>>
      %dma_start3A = arith.constant 0 : i32
      %dma_start3A_15 = arith.constant 0 : i32
      %dma_start3A_16 = tpu.memref_slice %arg4[%arg1, %dma_start3A, %dma_start3A_15] : memref<16x157x128xi32, #tpu.memory_space<hbm>> -> memref<1x157x128xi32, #tpu.memory_space<hbm>>
      %dma_start3A_17 = tpu.memref_squeeze %dma_start3A_16 : memref<1x157x128xi32, #tpu.memory_space<hbm>> -> memref<157x128xi32, #tpu.memory_space<hbm>>
      %dma_start3A_18 = arith.constant 0 : i32
      %dma_start3A_19 = arith.constant 0 : i32
      %dma_start3A_20 = tpu.memref_slice %arg4[%arg1, %dma_start3A_18, %dma_start3A_19] : memref<16x157x128xi32, #tpu.memory_space<hbm>> -> memref<1x157x128xi32, #tpu.memory_space<hbm>>
      %dma_start3A_21 = tpu.memref_squeeze %dma_start3A_20 : memref<1x157x128xi32, #tpu.memory_space<hbm>> -> memref<157x128xi32, #tpu.memory_space<hbm>>
      tpu.enqueue_dma source(%dma_start3A_21 : memref<157x128xi32, #tpu.memory_space<hbm>>) target(%arg10 : memref<157x128xi32, #tpu.memory_space<vmem>>) target_semaphore(%run_scoped3A : memref<!tpu.dma_semaphore, #tpu.memory_space<semaphore_mem>>)
      %dma_wait3A = arith.constant 0 : i32
      %dma_wait3A_22 = arith.constant 0 : i32
      %dma_wait3A_23 = tpu.memref_slice %arg4[%arg1, %dma_wait3A, %dma_wait3A_22] : memref<16x157x128xi32, #tpu.memory_space<hbm>> -> memref<1x157x128xi32, #tpu.memory_space<hbm>>
      %dma_wait3A_24 = tpu.memref_squeeze %dma_wait3A_23 : memref<1x157x128xi32, #tpu.memory_space<hbm>> -> memref<157x128xi32, #tpu.memory_space<hbm>>
      %dma_wait3A_25 = arith.constant 0 : i32
      %dma_wait3A_26 = arith.constant 0 : i32
      %dma_wait3A_27 = tpu.memref_slice %arg4[%arg1, %dma_wait3A_25, %dma_wait3A_26] : memref<16x157x128xi32, #tpu.memory_space<hbm>> -> memref<1x157x128xi32, #tpu.memory_space<hbm>>
      %dma_wait3A_28 = tpu.memref_squeeze %dma_wait3A_27 : memref<1x157x128xi32, #tpu.memory_space<hbm>> -> memref<157x128xi32, #tpu.memory_space<hbm>>
      tpu.wait_dma2 semaphore(%run_scoped3A : memref<!tpu.dma_semaphore, #tpu.memory_space<semaphore_mem>>) src(%dma_wait3A_28 : memref<157x128xi32, #tpu.memory_space<hbm>>) dst(%arg10 : memref<157x128xi32, #tpu.memory_space<vmem>>)
      tpu.yield
    }) : () -> ()
    %scan3A = arith.constant 0 : i32
    %scan3A_5 = arith.constant 0 : i32
    %scan3A_6 = arith.constant 157 : i32
    %scan3A_7 = arith.addi %scan3A_5, %scan3A_6 : i32
    %scan3A_8 = arith.constant 1 : i32
    scf.for %scan3A_15 = %scan3A_5 to %scan3A_7 step %scan3A_8  : i32 {
      "tpu.region"() ({
        %run_scoped3A = tpu.sem_alloc : memref<!tpu.dma_semaphore, #tpu.memory_space<semaphore_mem>>
        %dma_start3A = arith.constant 0 : i32
        %dma_start3A_16 = tpu.memref_slice %arg9[%scan3A_15, %dma_start3A] : memref<157x128xi32, #tpu.memory_space<vmem>> -> memref<1x128xi32, #tpu.memory_space<vmem>>
        %dma_start3A_17 = tpu.memref_squeeze %dma_start3A_16 : memref<1x128xi32, #tpu.memory_space<vmem>> -> memref<128xi32, #tpu.memory_space<vmem>>
        %dma_start3A_18 = arith.constant 0 : i32
        %dma_start3A_19 = arith.constant 0 : i32
        %dma_start3A_20 = tpu.memref_slice %arg8[%dma_start3A_18, %dma_start3A_19] : memref<10112x64xf32, #tpu.memory_space<vmem_shared>> -> memref<10112x64xf32, #tpu.memory_space<vmem_shared>>
        tpu.enqueue_indirect_dma source(%dma_start3A_20 : memref<10112x64xf32, #tpu.memory_space<vmem_shared>>) target(%arg11 : memref<128x64xf32, #tpu.memory_space<vmem>>) offsets(%dma_start3A_17 : memref<128xi32, #tpu.memory_space<vmem>>) semaphore(%run_scoped3A : memref<!tpu.dma_semaphore, #tpu.memory_space<semaphore_mem>>)
        %dma_wait3A = arith.constant 0 : i32
        %dma_wait3A_21 = tpu.memref_slice %arg9[%scan3A_15, %dma_wait3A] : memref<157x128xi32, #tpu.memory_space<vmem>> -> memref<1x128xi32, #tpu.memory_space<vmem>>
        %dma_wait3A_22 = tpu.memref_squeeze %dma_wait3A_21 : memref<1x128xi32, #tpu.memory_space<vmem>> -> memref<128xi32, #tpu.memory_space<vmem>>
        %dma_wait3A_23 = arith.constant 0 : i32
        %dma_wait3A_24 = arith.constant 0 : i32
        %dma_wait3A_25 = tpu.memref_slice %arg8[%dma_wait3A_23, %dma_wait3A_24] : memref<10112x64xf32, #tpu.memory_space<vmem_shared>> -> memref<10112x64xf32, #tpu.memory_space<vmem_shared>>
        tpu.wait_indirect_dma semaphore(%run_scoped3A : memref<!tpu.dma_semaphore, #tpu.memory_space<semaphore_mem>>) src(%dma_wait3A_25 : memref<10112x64xf32, #tpu.memory_space<vmem_shared>>) dst(%arg11 : memref<128x64xf32, #tpu.memory_space<vmem>>)
        tpu.yield
      }) : () -> ()
      "tpu.region"() ({
        %run_scoped3A = tpu.sem_alloc : memref<!tpu.dma_semaphore, #tpu.memory_space<semaphore_mem>>
        %dma_start3A = arith.constant 0 : i32
        %dma_start3A_16 = tpu.memref_slice %arg10[%scan3A_15, %dma_start3A] : memref<157x128xi32, #tpu.memory_space<vmem>> -> memref<1x128xi32, #tpu.memory_space<vmem>>
        %dma_start3A_17 = tpu.memref_squeeze %dma_start3A_16 : memref<1x128xi32, #tpu.memory_space<vmem>> -> memref<128xi32, #tpu.memory_space<vmem>>
        %dma_start3A_18 = arith.constant 0 : i32
        %dma_start3A_19 = arith.constant 0 : i32
        %dma_start3A_20 = tpu.memref_slice %arg7[%dma_start3A_18, %dma_start3A_19] : memref<10112x64xf32, #tpu.memory_space<vmem_shared>> -> memref<10112x64xf32, #tpu.memory_space<vmem_shared>>
        tpu.enqueue_indirect_dma source(%arg11 : memref<128x64xf32, #tpu.memory_space<vmem>>) target(%dma_start3A_20 : memref<10112x64xf32, #tpu.memory_space<vmem_shared>>) offsets(%dma_start3A_17 : memref<128xi32, #tpu.memory_space<vmem>>) semaphore(%run_scoped3A : memref<!tpu.dma_semaphore, #tpu.memory_space<semaphore_mem>>) {add = true}
        %dma_wait3A = arith.constant 0 : i32
        %dma_wait3A_21 = tpu.memref_slice %arg10[%scan3A_15, %dma_wait3A] : memref<157x128xi32, #tpu.memory_space<vmem>> -> memref<1x128xi32, #tpu.memory_space<vmem>>
        %dma_wait3A_22 = tpu.memref_squeeze %dma_wait3A_21 : memref<1x128xi32, #tpu.memory_space<vmem>> -> memref<128xi32, #tpu.memory_space<vmem>>
        %dma_wait3A_23 = arith.constant 0 : i32
        %dma_wait3A_24 = arith.constant 0 : i32
        %dma_wait3A_25 = tpu.memref_slice %arg7[%dma_wait3A_23, %dma_wait3A_24] : memref<10112x64xf32, #tpu.memory_space<vmem_shared>> -> memref<10112x64xf32, #tpu.memory_space<vmem_shared>>
        tpu.wait_indirect_dma semaphore(%run_scoped3A : memref<!tpu.dma_semaphore, #tpu.memory_space<semaphore_mem>>) src(%arg11 : memref<128x64xf32, #tpu.memory_space<vmem>>) dst(%dma_wait3A_25 : memref<10112x64xf32, #tpu.memory_space<vmem_shared>>)
        tpu.yield
      }) : () -> ()
    }
    %scan3A_9 = arith.constant 157 : i32
    %barrier3A_10 = arith.constant 0 : index
    tpu.barrier barrier_id(%barrier3A_10)
    %mul3A_11 = arith.constant 632 : i32
    %mul3A_12 = arith.muli %arg1, %mul3A_11 : i32
    %mul3A_13 = arith.constant 632 : i32
    %mul3A_14 = arith.muli %arg1, %mul3A_13 : i32
    "tpu.region"() ({
      %run_scoped3A = tpu.sem_alloc : memref<!tpu.dma_semaphore, #tpu.memory_space<semaphore_mem>>
      %dma_start3A = arith.constant 0 : i32
      %dma_start3A_15 = tpu.memref_slice %arg6[%arg0, %mul3A_14, %dma_start3A] : memref<2x10112x64xf32, #tpu.memory_space<hbm>> -> memref<1x632x64xf32, #tpu.memory_space<hbm>>
      %dma_start3A_16 = tpu.memref_squeeze %dma_start3A_15 : memref<1x632x64xf32, #tpu.memory_space<hbm>> -> memref<632x64xf32, #tpu.memory_space<hbm>>
      %dma_start3A_17 = arith.constant 0 : i32
      %dma_start3A_18 = tpu.memref_slice %arg7[%mul3A_12, %dma_start3A_17] : memref<10112x64xf32, #tpu.memory_space<vmem_shared>> -> memref<632x64xf32, #tpu.memory_space<vmem_shared>>
      tpu.enqueue_dma source(%dma_start3A_18 : memref<632x64xf32, #tpu.memory_space<vmem_shared>>) target(%dma_start3A_16 : memref<632x64xf32, #tpu.memory_space<hbm>>) target_semaphore(%run_scoped3A : memref<!tpu.dma_semaphore, #tpu.memory_space<semaphore_mem>>)
      %dma_wait3A = arith.constant 0 : i32
      %dma_wait3A_19 = tpu.memref_slice %arg6[%arg0, %mul3A_14, %dma_wait3A] : memref<2x10112x64xf32, #tpu.memory_space<hbm>> -> memref<1x632x64xf32, #tpu.memory_space<hbm>>
      %dma_wait3A_20 = tpu.memref_squeeze %dma_wait3A_19 : memref<1x632x64xf32, #tpu.memory_space<hbm>> -> memref<632x64xf32, #tpu.memory_space<hbm>>
      %dma_wait3A_21 = arith.constant 0 : i32
      %dma_wait3A_22 = tpu.memref_slice %arg7[%mul3A_12, %dma_wait3A_21] : memref<10112x64xf32, #tpu.memory_space<vmem_shared>> -> memref<632x64xf32, #tpu.memory_space<vmem_shared>>
      tpu.wait_dma2 semaphore(%run_scoped3A : memref<!tpu.dma_semaphore, #tpu.memory_space<semaphore_mem>>) src(%dma_wait3A_22 : memref<632x64xf32, #tpu.memory_space<vmem_shared>>) dst(%dma_wait3A_20 : memref<632x64xf32, #tpu.memory_space<hbm>>)
      tpu.yield
    }) : () -> ()
    return
  }
}

#map = affine_map<(d0, d1) -> (0, 0, 0)>
#map1 = affine_map<(d0, d1) -> (0, 0)>
module attributes {stable_mosaic.version = 14 : i64} {
  func.func @_sc_agg(%arg0: i32, %arg1: i32, %arg2: memref<2x10112x64xf32, #tpu.memory_space<hbm>>, %arg3: memref<16x157x128xi32, #tpu.memory_space<hbm>>, %arg4: memref<16x157x128xi32, #tpu.memory_space<hbm>>, %arg5: memref<632x64xf32, #tpu.memory_space<hbm>>, %arg6: memref<2x10112x64xf32, #tpu.memory_space<hbm>>, %arg7: memref<10112x64xf32, #tpu.memory_space<vmem_shared>>, %arg8: memref<10112x64xf32, #tpu.memory_space<vmem_shared>>, %arg9: memref<157x128xi32, #tpu.memory_space<vmem>>, %arg10: memref<157x128xi32, #tpu.memory_space<vmem>>, %arg11: memref<128x64xf32, #tpu.memory_space<vmem>>) attributes {dimension_semantics = [#tpu.dimension_semantics<core_parallel>, #tpu.dimension_semantics<subcore_parallel>], iteration_bounds = array<i64: 2, 16>, scalar_prefetch = 0 : i64, scratch_operands = 5 : i64, tpu.core_type = #tpu.core_type<sc_vector_subcore>, window_params = [{transform_indices = #map}, {transform_indices = #map}, {transform_indices = #map}, {transform_indices = #map1}, {transform_indices = #map}]} {
    %mul3A = arith.constant 632 : i32
    %mul3A_0 = arith.muli %arg1, %mul3A : i32
    %mul3A_1 = arith.constant 632 : i32
    %mul3A_2 = arith.muli %arg1, %mul3A_1 : i32
    "tpu.region"() ({
      %run_scoped3A = tpu.sem_alloc : memref<!tpu.dma_semaphore, #tpu.memory_space<semaphore_mem>>
      %dma_start3A = arith.constant 0 : i32
      %dma_start3A_15 = tpu.memref_slice %arg8[%mul3A_2, %dma_start3A] : memref<10112x64xf32, #tpu.memory_space<vmem_shared>> -> memref<632x64xf32, #tpu.memory_space<vmem_shared>>
      %dma_start3A_16 = arith.constant 0 : i32
      %dma_start3A_17 = tpu.memref_slice %arg2[%arg0, %mul3A_0, %dma_start3A_16] : memref<2x10112x64xf32, #tpu.memory_space<hbm>> -> memref<1x632x64xf32, #tpu.memory_space<hbm>>
      %dma_start3A_18 = tpu.memref_squeeze %dma_start3A_17 : memref<1x632x64xf32, #tpu.memory_space<hbm>> -> memref<632x64xf32, #tpu.memory_space<hbm>>
      tpu.enqueue_dma source(%dma_start3A_18 : memref<632x64xf32, #tpu.memory_space<hbm>>) target(%dma_start3A_15 : memref<632x64xf32, #tpu.memory_space<vmem_shared>>) target_semaphore(%run_scoped3A : memref<!tpu.dma_semaphore, #tpu.memory_space<semaphore_mem>>)
      %dma_wait3A = arith.constant 0 : i32
      %dma_wait3A_19 = tpu.memref_slice %arg8[%mul3A_2, %dma_wait3A] : memref<10112x64xf32, #tpu.memory_space<vmem_shared>> -> memref<632x64xf32, #tpu.memory_space<vmem_shared>>
      %dma_wait3A_20 = arith.constant 0 : i32
      %dma_wait3A_21 = tpu.memref_slice %arg2[%arg0, %mul3A_0, %dma_wait3A_20] : memref<2x10112x64xf32, #tpu.memory_space<hbm>> -> memref<1x632x64xf32, #tpu.memory_space<hbm>>
      %dma_wait3A_22 = tpu.memref_squeeze %dma_wait3A_21 : memref<1x632x64xf32, #tpu.memory_space<hbm>> -> memref<632x64xf32, #tpu.memory_space<hbm>>
      tpu.wait_dma2 semaphore(%run_scoped3A : memref<!tpu.dma_semaphore, #tpu.memory_space<semaphore_mem>>) src(%dma_wait3A_22 : memref<632x64xf32, #tpu.memory_space<hbm>>) dst(%dma_wait3A_19 : memref<632x64xf32, #tpu.memory_space<vmem_shared>>)
      tpu.yield
    }) : () -> ()
    %mul3A_3 = arith.constant 632 : i32
    %mul3A_4 = arith.muli %arg1, %mul3A_3 : i32
    "tpu.region"() ({
      %run_scoped3A = tpu.sem_alloc : memref<!tpu.dma_semaphore, #tpu.memory_space<semaphore_mem>>
      %dma_start3A = arith.constant 0 : i32
      %dma_start3A_15 = tpu.memref_slice %arg7[%mul3A_4, %dma_start3A] : memref<10112x64xf32, #tpu.memory_space<vmem_shared>> -> memref<632x64xf32, #tpu.memory_space<vmem_shared>>
      tpu.enqueue_dma source(%arg5 : memref<632x64xf32, #tpu.memory_space<hbm>>) target(%dma_start3A_15 : memref<632x64xf32, #tpu.memory_space<vmem_shared>>) target_semaphore(%run_scoped3A : memref<!tpu.dma_semaphore, #tpu.memory_space<semaphore_mem>>)
      %dma_wait3A = arith.constant 0 : i32
      %dma_wait3A_16 = tpu.memref_slice %arg7[%mul3A_4, %dma_wait3A] : memref<10112x64xf32, #tpu.memory_space<vmem_shared>> -> memref<632x64xf32, #tpu.memory_space<vmem_shared>>
      tpu.wait_dma2 semaphore(%run_scoped3A : memref<!tpu.dma_semaphore, #tpu.memory_space<semaphore_mem>>) src(%arg5 : memref<632x64xf32, #tpu.memory_space<hbm>>) dst(%dma_wait3A_16 : memref<632x64xf32, #tpu.memory_space<vmem_shared>>)
      tpu.yield
    }) : () -> ()
    %barrier3A = arith.constant 0 : index
    tpu.barrier barrier_id(%barrier3A)
    "tpu.region"() ({
      %run_scoped3A = tpu.sem_alloc : memref<!tpu.dma_semaphore, #tpu.memory_space<semaphore_mem>>
      %dma_start3A = arith.constant 0 : i32
      %dma_start3A_15 = arith.constant 0 : i32
      %dma_start3A_16 = tpu.memref_slice %arg3[%arg1, %dma_start3A, %dma_start3A_15] : memref<16x157x128xi32, #tpu.memory_space<hbm>> -> memref<1x157x128xi32, #tpu.memory_space<hbm>>
      %dma_start3A_17 = tpu.memref_squeeze %dma_start3A_16 : memref<1x157x128xi32, #tpu.memory_space<hbm>> -> memref<157x128xi32, #tpu.memory_space<hbm>>
      %dma_start3A_18 = arith.constant 0 : i32
      %dma_start3A_19 = arith.constant 0 : i32
      %dma_start3A_20 = tpu.memref_slice %arg3[%arg1, %dma_start3A_18, %dma_start3A_19] : memref<16x157x128xi32, #tpu.memory_space<hbm>> -> memref<1x157x128xi32, #tpu.memory_space<hbm>>
      %dma_start3A_21 = tpu.memref_squeeze %dma_start3A_20 : memref<1x157x128xi32, #tpu.memory_space<hbm>> -> memref<157x128xi32, #tpu.memory_space<hbm>>
      tpu.enqueue_dma source(%dma_start3A_21 : memref<157x128xi32, #tpu.memory_space<hbm>>) target(%arg9 : memref<157x128xi32, #tpu.memory_space<vmem>>) target_semaphore(%run_scoped3A : memref<!tpu.dma_semaphore, #tpu.memory_space<semaphore_mem>>)
      %dma_wait3A = arith.constant 0 : i32
      %dma_wait3A_22 = arith.constant 0 : i32
      %dma_wait3A_23 = tpu.memref_slice %arg3[%arg1, %dma_wait3A, %dma_wait3A_22] : memref<16x157x128xi32, #tpu.memory_space<hbm>> -> memref<1x157x128xi32, #tpu.memory_space<hbm>>
      %dma_wait3A_24 = tpu.memref_squeeze %dma_wait3A_23 : memref<1x157x128xi32, #tpu.memory_space<hbm>> -> memref<157x128xi32, #tpu.memory_space<hbm>>
      %dma_wait3A_25 = arith.constant 0 : i32
      %dma_wait3A_26 = arith.constant 0 : i32
      %dma_wait3A_27 = tpu.memref_slice %arg3[%arg1, %dma_wait3A_25, %dma_wait3A_26] : memref<16x157x128xi32, #tpu.memory_space<hbm>> -> memref<1x157x128xi32, #tpu.memory_space<hbm>>
      %dma_wait3A_28 = tpu.memref_squeeze %dma_wait3A_27 : memref<1x157x128xi32, #tpu.memory_space<hbm>> -> memref<157x128xi32, #tpu.memory_space<hbm>>
      tpu.wait_dma2 semaphore(%run_scoped3A : memref<!tpu.dma_semaphore, #tpu.memory_space<semaphore_mem>>) src(%dma_wait3A_28 : memref<157x128xi32, #tpu.memory_space<hbm>>) dst(%arg9 : memref<157x128xi32, #tpu.memory_space<vmem>>)
      tpu.yield
    }) : () -> ()
    "tpu.region"() ({
      %run_scoped3A = tpu.sem_alloc : memref<!tpu.dma_semaphore, #tpu.memory_space<semaphore_mem>>
      %dma_start3A = arith.constant 0 : i32
      %dma_start3A_15 = arith.constant 0 : i32
      %dma_start3A_16 = tpu.memref_slice %arg4[%arg1, %dma_start3A, %dma_start3A_15] : memref<16x157x128xi32, #tpu.memory_space<hbm>> -> memref<1x157x128xi32, #tpu.memory_space<hbm>>
      %dma_start3A_17 = tpu.memref_squeeze %dma_start3A_16 : memref<1x157x128xi32, #tpu.memory_space<hbm>> -> memref<157x128xi32, #tpu.memory_space<hbm>>
      %dma_start3A_18 = arith.constant 0 : i32
      %dma_start3A_19 = arith.constant 0 : i32
      %dma_start3A_20 = tpu.memref_slice %arg4[%arg1, %dma_start3A_18, %dma_start3A_19] : memref<16x157x128xi32, #tpu.memory_space<hbm>> -> memref<1x157x128xi32, #tpu.memory_space<hbm>>
      %dma_start3A_21 = tpu.memref_squeeze %dma_start3A_20 : memref<1x157x128xi32, #tpu.memory_space<hbm>> -> memref<157x128xi32, #tpu.memory_space<hbm>>
      tpu.enqueue_dma source(%dma_start3A_21 : memref<157x128xi32, #tpu.memory_space<hbm>>) target(%arg10 : memref<157x128xi32, #tpu.memory_space<vmem>>) target_semaphore(%run_scoped3A : memref<!tpu.dma_semaphore, #tpu.memory_space<semaphore_mem>>)
      %dma_wait3A = arith.constant 0 : i32
      %dma_wait3A_22 = arith.constant 0 : i32
      %dma_wait3A_23 = tpu.memref_slice %arg4[%arg1, %dma_wait3A, %dma_wait3A_22] : memref<16x157x128xi32, #tpu.memory_space<hbm>> -> memref<1x157x128xi32, #tpu.memory_space<hbm>>
      %dma_wait3A_24 = tpu.memref_squeeze %dma_wait3A_23 : memref<1x157x128xi32, #tpu.memory_space<hbm>> -> memref<157x128xi32, #tpu.memory_space<hbm>>
      %dma_wait3A_25 = arith.constant 0 : i32
      %dma_wait3A_26 = arith.constant 0 : i32
      %dma_wait3A_27 = tpu.memref_slice %arg4[%arg1, %dma_wait3A_25, %dma_wait3A_26] : memref<16x157x128xi32, #tpu.memory_space<hbm>> -> memref<1x157x128xi32, #tpu.memory_space<hbm>>
      %dma_wait3A_28 = tpu.memref_squeeze %dma_wait3A_27 : memref<1x157x128xi32, #tpu.memory_space<hbm>> -> memref<157x128xi32, #tpu.memory_space<hbm>>
      tpu.wait_dma2 semaphore(%run_scoped3A : memref<!tpu.dma_semaphore, #tpu.memory_space<semaphore_mem>>) src(%dma_wait3A_28 : memref<157x128xi32, #tpu.memory_space<hbm>>) dst(%arg10 : memref<157x128xi32, #tpu.memory_space<vmem>>)
      tpu.yield
    }) : () -> ()
    %scan3A = arith.constant 0 : i32
    %scan3A_5 = arith.constant 0 : i32
    %scan3A_6 = arith.constant 157 : i32
    %scan3A_7 = arith.addi %scan3A_5, %scan3A_6 : i32
    %scan3A_8 = arith.constant 1 : i32
    scf.for %scan3A_15 = %scan3A_5 to %scan3A_7 step %scan3A_8  : i32 {
      "tpu.region"() ({
        %run_scoped3A = tpu.sem_alloc : memref<!tpu.dma_semaphore, #tpu.memory_space<semaphore_mem>>
        %dma_start3A = arith.constant 0 : i32
        %dma_start3A_16 = tpu.memref_slice %arg9[%scan3A_15, %dma_start3A] : memref<157x128xi32, #tpu.memory_space<vmem>> -> memref<1x128xi32, #tpu.memory_space<vmem>>
        %dma_start3A_17 = tpu.memref_squeeze %dma_start3A_16 : memref<1x128xi32, #tpu.memory_space<vmem>> -> memref<128xi32, #tpu.memory_space<vmem>>
        %dma_start3A_18 = arith.constant 0 : i32
        %dma_start3A_19 = arith.constant 0 : i32
        %dma_start3A_20 = tpu.memref_slice %arg8[%dma_start3A_18, %dma_start3A_19] : memref<10112x64xf32, #tpu.memory_space<vmem_shared>> -> memref<10112x64xf32, #tpu.memory_space<vmem_shared>>
        tpu.enqueue_indirect_dma source(%dma_start3A_20 : memref<10112x64xf32, #tpu.memory_space<vmem_shared>>) target(%arg11 : memref<128x64xf32, #tpu.memory_space<vmem>>) offsets(%dma_start3A_17 : memref<128xi32, #tpu.memory_space<vmem>>) semaphore(%run_scoped3A : memref<!tpu.dma_semaphore, #tpu.memory_space<semaphore_mem>>)
        %dma_wait3A = arith.constant 0 : i32
        %dma_wait3A_21 = tpu.memref_slice %arg9[%scan3A_15, %dma_wait3A] : memref<157x128xi32, #tpu.memory_space<vmem>> -> memref<1x128xi32, #tpu.memory_space<vmem>>
        %dma_wait3A_22 = tpu.memref_squeeze %dma_wait3A_21 : memref<1x128xi32, #tpu.memory_space<vmem>> -> memref<128xi32, #tpu.memory_space<vmem>>
        %dma_wait3A_23 = arith.constant 0 : i32
        %dma_wait3A_24 = arith.constant 0 : i32
        %dma_wait3A_25 = tpu.memref_slice %arg8[%dma_wait3A_23, %dma_wait3A_24] : memref<10112x64xf32, #tpu.memory_space<vmem_shared>> -> memref<10112x64xf32, #tpu.memory_space<vmem_shared>>
        tpu.wait_indirect_dma semaphore(%run_scoped3A : memref<!tpu.dma_semaphore, #tpu.memory_space<semaphore_mem>>) src(%dma_wait3A_25 : memref<10112x64xf32, #tpu.memory_space<vmem_shared>>) dst(%arg11 : memref<128x64xf32, #tpu.memory_space<vmem>>)
        tpu.yield
      }) : () -> ()
      "tpu.region"() ({
        %run_scoped3A = tpu.sem_alloc : memref<!tpu.dma_semaphore, #tpu.memory_space<semaphore_mem>>
        %dma_start3A = arith.constant 0 : i32
        %dma_start3A_16 = tpu.memref_slice %arg10[%scan3A_15, %dma_start3A] : memref<157x128xi32, #tpu.memory_space<vmem>> -> memref<1x128xi32, #tpu.memory_space<vmem>>
        %dma_start3A_17 = tpu.memref_squeeze %dma_start3A_16 : memref<1x128xi32, #tpu.memory_space<vmem>> -> memref<128xi32, #tpu.memory_space<vmem>>
        %dma_start3A_18 = arith.constant 0 : i32
        %dma_start3A_19 = arith.constant 0 : i32
        %dma_start3A_20 = tpu.memref_slice %arg7[%dma_start3A_18, %dma_start3A_19] : memref<10112x64xf32, #tpu.memory_space<vmem_shared>> -> memref<10112x64xf32, #tpu.memory_space<vmem_shared>>
        tpu.enqueue_indirect_dma source(%arg11 : memref<128x64xf32, #tpu.memory_space<vmem>>) target(%dma_start3A_20 : memref<10112x64xf32, #tpu.memory_space<vmem_shared>>) offsets(%dma_start3A_17 : memref<128xi32, #tpu.memory_space<vmem>>) semaphore(%run_scoped3A : memref<!tpu.dma_semaphore, #tpu.memory_space<semaphore_mem>>) {add = true}
        %dma_wait3A = arith.constant 0 : i32
        %dma_wait3A_21 = tpu.memref_slice %arg10[%scan3A_15, %dma_wait3A] : memref<157x128xi32, #tpu.memory_space<vmem>> -> memref<1x128xi32, #tpu.memory_space<vmem>>
        %dma_wait3A_22 = tpu.memref_squeeze %dma_wait3A_21 : memref<1x128xi32, #tpu.memory_space<vmem>> -> memref<128xi32, #tpu.memory_space<vmem>>
        %dma_wait3A_23 = arith.constant 0 : i32
        %dma_wait3A_24 = arith.constant 0 : i32
        %dma_wait3A_25 = tpu.memref_slice %arg7[%dma_wait3A_23, %dma_wait3A_24] : memref<10112x64xf32, #tpu.memory_space<vmem_shared>> -> memref<10112x64xf32, #tpu.memory_space<vmem_shared>>
        tpu.wait_indirect_dma semaphore(%run_scoped3A : memref<!tpu.dma_semaphore, #tpu.memory_space<semaphore_mem>>) src(%arg11 : memref<128x64xf32, #tpu.memory_space<vmem>>) dst(%dma_wait3A_25 : memref<10112x64xf32, #tpu.memory_space<vmem_shared>>)
        tpu.yield
      }) : () -> ()
    }
    %scan3A_9 = arith.constant 157 : i32
    %barrier3A_10 = arith.constant 0 : index
    tpu.barrier barrier_id(%barrier3A_10)
    %mul3A_11 = arith.constant 632 : i32
    %mul3A_12 = arith.muli %arg1, %mul3A_11 : i32
    %mul3A_13 = arith.constant 632 : i32
    %mul3A_14 = arith.muli %arg1, %mul3A_13 : i32
    "tpu.region"() ({
      %run_scoped3A = tpu.sem_alloc : memref<!tpu.dma_semaphore, #tpu.memory_space<semaphore_mem>>
      %dma_start3A = arith.constant 0 : i32
      %dma_start3A_15 = tpu.memref_slice %arg6[%arg0, %mul3A_14, %dma_start3A] : memref<2x10112x64xf32, #tpu.memory_space<hbm>> -> memref<1x632x64xf32, #tpu.memory_space<hbm>>
      %dma_start3A_16 = tpu.memref_squeeze %dma_start3A_15 : memref<1x632x64xf32, #tpu.memory_space<hbm>> -> memref<632x64xf32, #tpu.memory_space<hbm>>
      %dma_start3A_17 = arith.constant 0 : i32
      %dma_start3A_18 = tpu.memref_slice %arg7[%mul3A_12, %dma_start3A_17] : memref<10112x64xf32, #tpu.memory_space<vmem_shared>> -> memref<632x64xf32, #tpu.memory_space<vmem_shared>>
      tpu.enqueue_dma source(%dma_start3A_18 : memref<632x64xf32, #tpu.memory_space<vmem_shared>>) target(%dma_start3A_16 : memref<632x64xf32, #tpu.memory_space<hbm>>) target_semaphore(%run_scoped3A : memref<!tpu.dma_semaphore, #tpu.memory_space<semaphore_mem>>)
      %dma_wait3A = arith.constant 0 : i32
      %dma_wait3A_19 = tpu.memref_slice %arg6[%arg0, %mul3A_14, %dma_wait3A] : memref<2x10112x64xf32, #tpu.memory_space<hbm>> -> memref<1x632x64xf32, #tpu.memory_space<hbm>>
      %dma_wait3A_20 = tpu.memref_squeeze %dma_wait3A_19 : memref<1x632x64xf32, #tpu.memory_space<hbm>> -> memref<632x64xf32, #tpu.memory_space<hbm>>
      %dma_wait3A_21 = arith.constant 0 : i32
      %dma_wait3A_22 = tpu.memref_slice %arg7[%mul3A_12, %dma_wait3A_21] : memref<10112x64xf32, #tpu.memory_space<vmem_shared>> -> memref<632x64xf32, #tpu.memory_space<vmem_shared>>
      tpu.wait_dma2 semaphore(%run_scoped3A : memref<!tpu.dma_semaphore, #tpu.memory_space<semaphore_mem>>) src(%dma_wait3A_22 : memref<632x64xf32, #tpu.memory_space<vmem_shared>>) dst(%dma_wait3A_20 : memref<632x64xf32, #tpu.memory_space<hbm>>)
      tpu.yield
    }) : () -> ()
    return
  }
}

module attributes {stable_mosaic.version = 14 : i64} {
  func.func @_tc_stage0(%arg0: i32, %arg1: memref<2x2528x16xf32, #tpu.memory_space<vmem>>, %arg2: memref<2528x128xf32, #tpu.memory_space<vmem>>, %arg3: memref<128x128xf32, #tpu.memory_space<vmem>>, %arg4: memref<2x2528x64xf32, #tpu.memory_space<vmem>>, %arg5: memref<2528x16xf32, #tpu.memory_space<vmem>>) attributes {dimension_semantics = [#tpu.dimension_semantics<arbitrary>], iteration_bounds = array<i64: 4>, scalar_prefetch = 0 : i64, scratch_operands = 0 : i64, tpu.core_type = #tpu.core_type<tc>, window_params = [{transform_indices = @transform_0, window_bounds = array<i64: 2, 2528, 16>}, {transform_indices = @transform_1, window_bounds = array<i64: 2528, 128>}, {pipeline_mode = #tpu.pipeline_mode<synchronous>, transform_indices = @transform_2, window_bounds = array<i64: 128, 128>}, {transform_indices = @transform_3, window_bounds = array<i64: 2, 2528, 64>}, {transform_indices = @transform_4, window_bounds = array<i64: 2528, 16>}]} {
    %get3A = arith.constant 0 : index
    %get3A_0 = arith.constant 0 : index
    %get3A_1 = arith.constant 0 : index
    %get3A_2 = vector.load %arg1[%get3A, %get3A_0, %get3A_1] : memref<2x2528x16xf32, #tpu.memory_space<vmem>>, vector<1x2528x1xf32>
    %get3A_3 = vector.shape_cast %get3A_2 : vector<1x2528x1xf32> to vector<2528xf32>
    %get3A_4 = arith.constant 1 : index
    %get3A_5 = arith.constant 0 : index
    %get3A_6 = arith.constant 0 : index
    %get3A_7 = vector.load %arg1[%get3A_4, %get3A_5, %get3A_6] : memref<2x2528x16xf32, #tpu.memory_space<vmem>>, vector<1x2528x1xf32>
    %get3A_8 = vector.shape_cast %get3A_7 : vector<1x2528x1xf32> to vector<2528xf32>
    %add3A = arith.addf %get3A_3, %get3A_8 : vector<2528xf32>
    %add3A_9 = arith.constant 1.000000e+00 : f32
    %add3A_10 = vector.broadcast %add3A_9 : f32 to vector<2528xf32>
    %add3A_11 = arith.addf %add3A, %add3A_10 : vector<2528xf32>
    %rsqrt3A = math.rsqrt %add3A_11 : vector<2528xf32>
    %broadcast_in_dim3A = vector.shape_cast %rsqrt3A : vector<2528xf32> to vector<2528x1xf32>
    %broadcast_in_dim3A_12 = vector.shape_cast %broadcast_in_dim3A : vector<2528x1xf32> to vector<2528x1xf32>
    %broadcast_in_dim3A_13 = vector.broadcast %broadcast_in_dim3A_12 : vector<2528x1xf32> to vector<2528x16xf32>
    %swap3A = arith.constant 0 : index
    %swap3A_14 = arith.constant 0 : index
    %swap3A_15 = vector.load %arg5[%swap3A, %swap3A_14] : memref<2528x16xf32, #tpu.memory_space<vmem>>, vector<2528x16xf32>
    tpu.vector_store %arg5[%swap3A, %swap3A_14], %broadcast_in_dim3A_13 {strides = array<i32>} : memref<2528x16xf32, #tpu.memory_space<vmem>>, vector<2528x16xf32>,
    %get3A_16 = arith.constant 0 : index
    %get3A_17 = arith.constant 0 : index
    %get3A_18 = vector.load %arg2[%get3A_16, %get3A_17] : memref<2528x128xf32, #tpu.memory_space<vmem>>, vector<2528x128xf32>
    %get3A_19 = arith.constant 0 : index
    %get3A_20 = arith.constant 0 : index
    %get3A_21 = vector.load %arg3[%get3A_19, %get3A_20] : memref<128x128xf32, #tpu.memory_space<vmem>>, vector<128x128xf32>
    %dot_general3A = arith.constant dense<0.000000e+00> : vector<2528x128xf32>
    %dot_general3A_22 = tpu.matmul %get3A_18, %get3A_21, %dot_general3A {dimension_numbers = #tpu.dot_dimension_numbers<[1], [1], [0], [0], [0, 0, 1, 0], [], []>, precision = #tpu.contract_precision<fp32>, transpose_lhs_hint = false} : vector<2528x128xf32>, vector<128x128xf32>, vector<2528x128xf32> -> vector<2528x128xf32>
    %mul3A = vector.broadcast %broadcast_in_dim3A : vector<2528x1xf32> to vector<2528x128xf32>
    %mul3A_23 = arith.mulf %dot_general3A_22, %mul3A : vector<2528x128xf32>
    %slice3A = vector.extract_strided_slice %mul3A_23 {offsets = [0, 0], sizes = [2528, 64], strides = [1, 1]} : vector<2528x128xf32> to vector<2528x64xf32>
    %swap3A_24 = arith.constant 0 : index
    %swap3A_25 = arith.constant 0 : index
    %swap3A_26 = arith.constant 0 : index
    %swap3A_27 = vector.load %arg4[%swap3A_24, %swap3A_25, %swap3A_26] : memref<2x2528x64xf32, #tpu.memory_space<vmem>>, vector<1x2528x64xf32>
    %swap3A_28 = vector.shape_cast %swap3A_27 : vector<1x2528x64xf32> to vector<2528x64xf32>
    %swap3A_29 = vector.shape_cast %slice3A : vector<2528x64xf32> to vector<1x2528x64xf32>
    tpu.vector_store %arg4[%swap3A_24, %swap3A_25, %swap3A_26], %swap3A_29 {strides = array<i32>} : memref<2x2528x64xf32, #tpu.memory_space<vmem>>, vector<1x2528x64xf32>,
    %slice3A_30 = vector.extract_strided_slice %mul3A_23 {offsets = [0, 64], sizes = [2528, 64], strides = [1, 1]} : vector<2528x128xf32> to vector<2528x64xf32>
    %swap3A_31 = arith.constant 1 : index
    %swap3A_32 = arith.constant 0 : index
    %swap3A_33 = arith.constant 0 : index
    %swap3A_34 = vector.load %arg4[%swap3A_31, %swap3A_32, %swap3A_33] : memref<2x2528x64xf32, #tpu.memory_space<vmem>>, vector<1x2528x64xf32>
    %swap3A_35 = vector.shape_cast %swap3A_34 : vector<1x2528x64xf32> to vector<2528x64xf32>
    %swap3A_36 = vector.shape_cast %slice3A_30 : vector<2528x64xf32> to vector<1x2528x64xf32>
    tpu.vector_store %arg4[%swap3A_31, %swap3A_32, %swap3A_33], %swap3A_36 {strides = array<i32>} : memref<2x2528x64xf32, #tpu.memory_space<vmem>>, vector<1x2528x64xf32>,
    return
  }
  func.func @transform_0(%arg0: i32) -> (i32, i32, i32) {
    %c0_i32 = arith.constant 0 : i32
    %c0_i32_0 = arith.constant 0 : i32
    %c0_i32_1 = arith.constant 0 : i32
    return %c0_i32, %arg0, %c0_i32_0 : i32, i32, i32
  }
  func.func @transform_1(%arg0: i32) -> (i32, i32) {
    %c0_i32 = arith.constant 0 : i32
    %c0_i32_0 = arith.constant 0 : i32
    return %arg0, %c0_i32 : i32, i32
  }
  func.func @transform_2(%arg0: i32) -> (i32, i32) {
    %c0_i32 = arith.constant 0 : i32
    %c0_i32_0 = arith.constant 0 : i32
    %c0_i32_1 = arith.constant 0 : i32
    return %c0_i32, %c0_i32_0 : i32, i32
  }
  func.func @transform_3(%arg0: i32) -> (i32, i32, i32) {
    %c0_i32 = arith.constant 0 : i32
    %c0_i32_0 = arith.constant 0 : i32
    %c0_i32_1 = arith.constant 0 : i32
    return %c0_i32, %arg0, %c0_i32_0 : i32, i32, i32
  }
  func.func @transform_4(%arg0: i32) -> (i32, i32) {
    %c0_i32 = arith.constant 0 : i32
    %c0_i32_0 = arith.constant 0 : i32
    return %arg0, %c0_i32 : i32, i32
  }
}

module attributes {stable_mosaic.version = 14 : i64} {
  func.func @_tc_mid(%arg0: i32, %arg1: memref<2x2528x64xf32, #tpu.memory_space<vmem>>, %arg2: memref<2x2528x64xf32, #tpu.memory_space<vmem>>, %arg3: memref<2528x16xf32, #tpu.memory_space<vmem>>, %arg4: memref<128x128xf32, #tpu.memory_space<vmem>>, %arg5: memref<1x128xf32, #tpu.memory_space<vmem>>, %arg6: memref<1x128xf32, #tpu.memory_space<vmem>>, %arg7: memref<1x128xf32, #tpu.memory_space<vmem>>, %arg8: memref<2x2528x64xf32, #tpu.memory_space<vmem>>) attributes {dimension_semantics = [#tpu.dimension_semantics<arbitrary>], iteration_bounds = array<i64: 4>, scalar_prefetch = 0 : i64, scratch_operands = 0 : i64, tpu.core_type = #tpu.core_type<tc>, window_params = [{transform_indices = @transform_0, window_bounds = array<i64: 2, 2528, 64>}, {transform_indices = @transform_1, window_bounds = array<i64: 2, 2528, 64>}, {transform_indices = @transform_2, window_bounds = array<i64: 2528, 16>}, {pipeline_mode = #tpu.pipeline_mode<synchronous>, transform_indices = @transform_3, window_bounds = array<i64: 128, 128>}, {pipeline_mode = #tpu.pipeline_mode<synchronous>, transform_indices = @transform_4, window_bounds = array<i64: 1, 128>}, {pipeline_mode = #tpu.pipeline_mode<synchronous>, transform_indices = @transform_5, window_bounds = array<i64: 1, 128>}, {pipeline_mode = #tpu.pipeline_mode<synchronous>, transform_indices = @transform_6, window_bounds = array<i64: 1, 128>}, {transform_indices = @transform_7, window_bounds = array<i64: 2, 2528, 64>}]} {
    %get3A = arith.constant 0 : index
    %get3A_0 = arith.constant 0 : index
    %get3A_1 = vector.load %arg3[%get3A, %get3A_0] : memref<2528x16xf32, #tpu.memory_space<vmem>>, vector<2528x1xf32>
    %get3A_2 = arith.constant 0 : index
    %get3A_3 = arith.constant 0 : index
    %get3A_4 = arith.constant 0 : index
    %get3A_5 = vector.load %arg1[%get3A_2, %get3A_3, %get3A_4] : memref<2x2528x64xf32, #tpu.memory_space<vmem>>, vector<1x2528x64xf32>
    %get3A_6 = vector.shape_cast %get3A_5 : vector<1x2528x64xf32> to vector<2528x64xf32>
    %get3A_7 = arith.constant 0 : index
    %get3A_8 = arith.constant 0 : index
    %get3A_9 = arith.constant 0 : index
    %get3A_10 = vector.load %arg2[%get3A_7, %get3A_8, %get3A_9] : memref<2x2528x64xf32, #tpu.memory_space<vmem>>, vector<1x2528x64xf32>
    %get3A_11 = vector.shape_cast %get3A_10 : vector<1x2528x64xf32> to vector<2528x64xf32>
    %add3A = arith.addf %get3A_6, %get3A_11 : vector<2528x64xf32>
    %get3A_12 = arith.constant 1 : index
    %get3A_13 = arith.constant 0 : index
    %get3A_14 = arith.constant 0 : index
    %get3A_15 = vector.load %arg1[%get3A_12, %get3A_13, %get3A_14] : memref<2x2528x64xf32, #tpu.memory_space<vmem>>, vector<1x2528x64xf32>
    %get3A_16 = vector.shape_cast %get3A_15 : vector<1x2528x64xf32> to vector<2528x64xf32>
    %get3A_17 = arith.constant 1 : index
    %get3A_18 = arith.constant 0 : index
    %get3A_19 = arith.constant 0 : index
    %get3A_20 = vector.load %arg2[%get3A_17, %get3A_18, %get3A_19] : memref<2x2528x64xf32, #tpu.memory_space<vmem>>, vector<1x2528x64xf32>
    %get3A_21 = vector.shape_cast %get3A_20 : vector<1x2528x64xf32> to vector<2528x64xf32>
    %add3A_22 = arith.addf %get3A_16, %get3A_21 : vector<2528x64xf32>
    %concatenate3A = tpu.concatenate %add3A, %add3A_22 in 1 : vector<2528x64xf32>, vector<2528x64xf32> -> vector<2528x128xf32>
    %mul3A = vector.broadcast %get3A_1 : vector<2528x1xf32> to vector<2528x128xf32>
    %mul3A_23 = arith.mulf %concatenate3A, %mul3A : vector<2528x128xf32>
    %get3A_24 = arith.constant 0 : index
    %get3A_25 = arith.constant 0 : index
    %get3A_26 = vector.load %arg5[%get3A_24, %get3A_25] : memref<1x128xf32, #tpu.memory_space<vmem>>, vector<1x128xf32>
    %add3A_27 = vector.broadcast %get3A_26 : vector<1x128xf32> to vector<2528x128xf32>
    %add3A_28 = arith.addf %mul3A_23, %add3A_27 : vector<2528x128xf32>
    %get3A_29 = arith.constant 0 : index
    %get3A_30 = arith.constant 0 : index
    %get3A_31 = vector.load %arg6[%get3A_29, %get3A_30] : memref<1x128xf32, #tpu.memory_space<vmem>>, vector<1x128xf32>
    %mul3A_32 = vector.broadcast %get3A_31 : vector<1x128xf32> to vector<2528x128xf32>
    %mul3A_33 = arith.mulf %mul3A_32, %add3A_28 : vector<2528x128xf32>
    %mul3A_34 = arith.constant 0.999994993 : f32
    %mul3A_35 = vector.broadcast %mul3A_34 : f32 to vector<2528x128xf32>
    %mul3A_36 = arith.mulf %mul3A_33, %mul3A_35 : vector<2528x128xf32>
    %get3A_37 = arith.constant 0 : index
    %get3A_38 = arith.constant 0 : index
    %get3A_39 = vector.load %arg7[%get3A_37, %get3A_38] : memref<1x128xf32, #tpu.memory_space<vmem>>, vector<1x128xf32>
    %add3A_40 = vector.broadcast %get3A_39 : vector<1x128xf32> to vector<2528x128xf32>
    %add3A_41 = arith.addf %mul3A_36, %add3A_40 : vector<2528x128xf32>
    %max3A = arith.constant 0.000000e+00 : f32
    %max3A_42 = vector.broadcast %max3A : f32 to vector<2528x128xf32>
    %max3A_43 = arith.maximumf %add3A_41, %max3A_42 : vector<2528x128xf32>
    %get3A_44 = arith.constant 0 : index
    %get3A_45 = arith.constant 0 : index
    %get3A_46 = vector.load %arg4[%get3A_44, %get3A_45] : memref<128x128xf32, #tpu.memory_space<vmem>>, vector<128x128xf32>
    %dot_general3A = arith.constant dense<0.000000e+00> : vector<2528x128xf32>
    %dot_general3A_47 = tpu.matmul %max3A_43, %get3A_46, %dot_general3A {dimension_numbers = #tpu.dot_dimension_numbers<[1], [1], [0], [0], [0, 0, 1, 0], [], []>, precision = #tpu.contract_precision<fp32>, transpose_lhs_hint = false} : vector<2528x128xf32>, vector<128x128xf32>, vector<2528x128xf32> -> vector<2528x128xf32>
    %mul3A_48 = vector.broadcast %get3A_1 : vector<2528x1xf32> to vector<2528x128xf32>
    %mul3A_49 = arith.mulf %dot_general3A_47, %mul3A_48 : vector<2528x128xf32>
    %slice3A = vector.extract_strided_slice %mul3A_49 {offsets = [0, 0], sizes = [2528, 64], strides = [1, 1]} : vector<2528x128xf32> to vector<2528x64xf32>
    %swap3A = arith.constant 0 : index
    %swap3A_50 = arith.constant 0 : index
    %swap3A_51 = arith.constant 0 : index
    %swap3A_52 = vector.load %arg8[%swap3A, %swap3A_50, %swap3A_51] : memref<2x2528x64xf32, #tpu.memory_space<vmem>>, vector<1x2528x64xf32>
    %swap3A_53 = vector.shape_cast %swap3A_52 : vector<1x2528x64xf32> to vector<2528x64xf32>
    %swap3A_54 = vector.shape_cast %slice3A : vector<2528x64xf32> to vector<1x2528x64xf32>
    tpu.vector_store %arg8[%swap3A, %swap3A_50, %swap3A_51], %swap3A_54 {strides = array<i32>} : memref<2x2528x64xf32, #tpu.memory_space<vmem>>, vector<1x2528x64xf32>,
    %slice3A_55 = vector.extract_strided_slice %mul3A_49 {offsets = [0, 64], sizes = [2528, 64], strides = [1, 1]} : vector<2528x128xf32> to vector<2528x64xf32>
    %swap3A_56 = arith.constant 1 : index
    %swap3A_57 = arith.constant 0 : index
    %swap3A_58 = arith.constant 0 : index
    %swap3A_59 = vector.load %arg8[%swap3A_56, %swap3A_57, %swap3A_58] : memref<2x2528x64xf32, #tpu.memory_space<vmem>>, vector<1x2528x64xf32>
    %swap3A_60 = vector.shape_cast %swap3A_59 : vector<1x2528x64xf32> to vector<2528x64xf32>
    %swap3A_61 = vector.shape_cast %slice3A_55 : vector<2528x64xf32> to vector<1x2528x64xf32>
    tpu.vector_store %arg8[%swap3A_56, %swap3A_57, %swap3A_58], %swap3A_61 {strides = array<i32>} : memref<2x2528x64xf32, #tpu.memory_space<vmem>>, vector<1x2528x64xf32>,
    return
  }
  func.func @transform_0(%arg0: i32) -> (i32, i32, i32) {
    %c0_i32 = arith.constant 0 : i32
    %c0_i32_0 = arith.constant 0 : i32
    %c0_i32_1 = arith.constant 0 : i32
    return %c0_i32, %arg0, %c0_i32_0 : i32, i32, i32
  }
  func.func @transform_1(%arg0: i32) -> (i32, i32, i32) {
    %c0_i32 = arith.constant 0 : i32
    %c0_i32_0 = arith.constant 0 : i32
    %c0_i32_1 = arith.constant 0 : i32
    return %c0_i32, %arg0, %c0_i32_0 : i32, i32, i32
  }
  func.func @transform_2(%arg0: i32) -> (i32, i32) {
    %c0_i32 = arith.constant 0 : i32
    %c0_i32_0 = arith.constant 0 : i32
    return %arg0, %c0_i32 : i32, i32
  }
  func.func @transform_3(%arg0: i32) -> (i32, i32) {
    %c0_i32 = arith.constant 0 : i32
    %c0_i32_0 = arith.constant 0 : i32
    %c0_i32_1 = arith.constant 0 : i32
    return %c0_i32, %c0_i32_0 : i32, i32
  }
  func.func @transform_4(%arg0: i32) -> (i32, i32) {
    %c0_i32 = arith.constant 0 : i32
    %c0_i32_0 = arith.constant 0 : i32
    %c0_i32_1 = arith.constant 0 : i32
    return %c0_i32, %c0_i32_0 : i32, i32
  }
  func.func @transform_5(%arg0: i32) -> (i32, i32) {
    %c0_i32 = arith.constant 0 : i32
    %c0_i32_0 = arith.constant 0 : i32
    %c0_i32_1 = arith.constant 0 : i32
    return %c0_i32, %c0_i32_0 : i32, i32
  }
  func.func @transform_6(%arg0: i32) -> (i32, i32) {
    %c0_i32 = arith.constant 0 : i32
    %c0_i32_0 = arith.constant 0 : i32
    %c0_i32_1 = arith.constant 0 : i32
    return %c0_i32, %c0_i32_0 : i32, i32
  }
  func.func @transform_7(%arg0: i32) -> (i32, i32, i32) {
    %c0_i32 = arith.constant 0 : i32
    %c0_i32_0 = arith.constant 0 : i32
    %c0_i32_1 = arith.constant 0 : i32
    return %c0_i32, %arg0, %c0_i32_0 : i32, i32, i32
  }
}

module attributes {stable_mosaic.version = 14 : i64} {
  func.func @_tc_final(%arg0: i32, %arg1: memref<2x2528x64xf32, #tpu.memory_space<vmem>>, %arg2: memref<2x2528x64xf32, #tpu.memory_space<vmem>>, %arg3: memref<2528x16xf32, #tpu.memory_space<vmem>>, %arg4: memref<1x128xf32, #tpu.memory_space<vmem>>, %arg5: memref<2528x128xf32, #tpu.memory_space<vmem>>, %arg6: memref<2528x128xf32, #tpu.memory_space<vmem>>) attributes {dimension_semantics = [#tpu.dimension_semantics<arbitrary>], iteration_bounds = array<i64: 4>, scalar_prefetch = 0 : i64, scratch_operands = 0 : i64, tpu.core_type = #tpu.core_type<tc>, window_params = [{transform_indices = @transform_0, window_bounds = array<i64: 2, 2528, 64>}, {transform_indices = @transform_1, window_bounds = array<i64: 2, 2528, 64>}, {transform_indices = @transform_2, window_bounds = array<i64: 2528, 16>}, {pipeline_mode = #tpu.pipeline_mode<synchronous>, transform_indices = @transform_3, window_bounds = array<i64: 1, 128>}, {transform_indices = @transform_4, window_bounds = array<i64: 2528, 128>}, {transform_indices = @transform_5, window_bounds = array<i64: 2528, 128>}]} {
    %get3A = arith.constant 0 : index
    %get3A_0 = arith.constant 0 : index
    %get3A_1 = vector.load %arg3[%get3A, %get3A_0] : memref<2528x16xf32, #tpu.memory_space<vmem>>, vector<2528x1xf32>
    %get3A_2 = arith.constant 0 : index
    %get3A_3 = arith.constant 0 : index
    %get3A_4 = arith.constant 0 : index
    %get3A_5 = vector.load %arg1[%get3A_2, %get3A_3, %get3A_4] : memref<2x2528x64xf32, #tpu.memory_space<vmem>>, vector<1x2528x64xf32>
    %get3A_6 = vector.shape_cast %get3A_5 : vector<1x2528x64xf32> to vector<2528x64xf32>
    %get3A_7 = arith.constant 0 : index
    %get3A_8 = arith.constant 0 : index
    %get3A_9 = arith.constant 0 : index
    %get3A_10 = vector.load %arg2[%get3A_7, %get3A_8, %get3A_9] : memref<2x2528x64xf32, #tpu.memory_space<vmem>>, vector<1x2528x64xf32>
    %get3A_11 = vector.shape_cast %get3A_10 : vector<1x2528x64xf32> to vector<2528x64xf32>
    %add3A = arith.addf %get3A_6, %get3A_11 : vector<2528x64xf32>
    %get3A_12 = arith.constant 1 : index
    %get3A_13 = arith.constant 0 : index
    %get3A_14 = arith.constant 0 : index
    %get3A_15 = vector.load %arg1[%get3A_12, %get3A_13, %get3A_14] : memref<2x2528x64xf32, #tpu.memory_space<vmem>>, vector<1x2528x64xf32>
    %get3A_16 = vector.shape_cast %get3A_15 : vector<1x2528x64xf32> to vector<2528x64xf32>
    %get3A_17 = arith.constant 1 : index
    %get3A_18 = arith.constant 0 : index
    %get3A_19 = arith.constant 0 : index
    %get3A_20 = vector.load %arg2[%get3A_17, %get3A_18, %get3A_19] : memref<2x2528x64xf32, #tpu.memory_space<vmem>>, vector<1x2528x64xf32>
    %get3A_21 = vector.shape_cast %get3A_20 : vector<1x2528x64xf32> to vector<2528x64xf32>
    %add3A_22 = arith.addf %get3A_16, %get3A_21 : vector<2528x64xf32>
    %concatenate3A = tpu.concatenate %add3A, %add3A_22 in 1 : vector<2528x64xf32>, vector<2528x64xf32> -> vector<2528x128xf32>
    %mul3A = vector.broadcast %get3A_1 : vector<2528x1xf32> to vector<2528x128xf32>
    %mul3A_23 = arith.mulf %concatenate3A, %mul3A : vector<2528x128xf32>
    %get3A_24 = arith.constant 0 : index
    %get3A_25 = arith.constant 0 : index
    %get3A_26 = vector.load %arg4[%get3A_24, %get3A_25] : memref<1x128xf32, #tpu.memory_space<vmem>>, vector<1x128xf32>
    %add3A_27 = vector.broadcast %get3A_26 : vector<1x128xf32> to vector<2528x128xf32>
    %add3A_28 = arith.addf %mul3A_23, %add3A_27 : vector<2528x128xf32>
    %get3A_29 = arith.constant 0 : index
    %get3A_30 = arith.constant 0 : index
    %get3A_31 = vector.load %arg5[%get3A_29, %get3A_30] : memref<2528x128xf32, #tpu.memory_space<vmem>>, vector<2528x128xf32>
    %add3A_32 = arith.addf %add3A_28, %get3A_31 : vector<2528x128xf32>
    %swap3A = arith.constant 0 : index
    %swap3A_33 = arith.constant 0 : index
    %swap3A_34 = vector.load %arg6[%swap3A, %swap3A_33] : memref<2528x128xf32, #tpu.memory_space<vmem>>, vector<2528x128xf32>
    tpu.vector_store %arg6[%swap3A, %swap3A_33], %add3A_32 {strides = array<i32>} : memref<2528x128xf32, #tpu.memory_space<vmem>>, vector<2528x128xf32>,
    return
  }
  func.func @transform_0(%arg0: i32) -> (i32, i32, i32) {
    %c0_i32 = arith.constant 0 : i32
    %c0_i32_0 = arith.constant 0 : i32
    %c0_i32_1 = arith.constant 0 : i32
    return %c0_i32, %arg0, %c0_i32_0 : i32, i32, i32
  }
  func.func @transform_1(%arg0: i32) -> (i32, i32, i32) {
    %c0_i32 = arith.constant 0 : i32
    %c0_i32_0 = arith.constant 0 : i32
    %c0_i32_1 = arith.constant 0 : i32
    return %c0_i32, %arg0, %c0_i32_0 : i32, i32, i32
  }
  func.func @transform_2(%arg0: i32) -> (i32, i32) {
    %c0_i32 = arith.constant 0 : i32
    %c0_i32_0 = arith.constant 0 : i32
    return %arg0, %c0_i32 : i32, i32
  }
  func.func @transform_3(%arg0: i32) -> (i32, i32) {
    %c0_i32 = arith.constant 0 : i32
    %c0_i32_0 = arith.constant 0 : i32
    %c0_i32_1 = arith.constant 0 : i32
    return %c0_i32, %c0_i32_0 : i32, i32
  }
  func.func @transform_4(%arg0: i32) -> (i32, i32) {
    %c0_i32 = arith.constant 0 : i32
    %c0_i32_0 = arith.constant 0 : i32
    return %arg0, %c0_i32 : i32, i32
  }
  func.func @transform_5(%arg0: i32) -> (i32, i32) {
    %c0_i32 = arith.constant 0 : i32
    %c0_i32_0 = arith.constant 0 : i32
    return %arg0, %c0_i32 : i32, i32
  }
}

</mosaic_0001>

<sc_bundles>
// kernel: kernel.10.cloned.1.call-start
scs
__scs_entry_jumppad:
0x0: {  	(pc) =	sbr.rel $0x88, $3  }
0x1: {  	(tag) =	ssettag $0x0;
	lr =	simm.s32 $0x1  }
0x2: {  	[smem:$0x3F95] =	sst lr;
	_ =	strace $0xD0000000  }
0x3: {  	_ = 	snop  }
0x4: {  	_ = 	snop  }
0x5: {  	_ = 	snop  }
0x6: {  	_ = 	snop  }
0x7: {  	_ = 	snop  }
__scs_overlays_trampoline_lowered:
0x8: {  	[smem:$0x3FA4] =	sst s0  }
0x9: {  	[smem:$0x3FA5] =	sst s1  }
0xa: {  	[smem:$0x3FA6] =	sst s2  }
0xb: {  	[smem:$0x3FA7] =	sst s3  }
0xc: {  	[smem:$0x3FA8] =	sst s4  }
0xd: {  	[smem:$0x3FA9] =	sst s5  }
0xe: {  	[smem:$0x3FAA] =	sst s6  }
0xf: {  	[smem:$0x3FAB] =	sst s7  }
0x10: {  	[smem:$0x3FAC] =	sst s8  }
0x11: {  	[smem:$0x3FAD] =	sst s9;
	s0 =	simm.s32 @!p0 $0x0  }
0x12: {  	s1 =	sld [smem:$0x3F93];
	s0 =	simm.s32 @p0 $0x1  }
0x13: {  	[smem:$0x3FAE] =	sst s0;
	s0 =	simm.s32 @!p1 $0x0  }
0x14: {  	s2 =	sld [smem:$0x3F92];
	s0 =	simm.s32 @p1 $0x1  }
0x15: {  	[smem:$0x3FAF] =	sst s0;
	s0 =	simm.s32 @!p2 $0x0  }
0x16: {  	s3 =	sld [smem:$0x3FDB];
	s0 =	simm.s32 @p2 $0x1  }
0x17: {  	s4 =	simm.s32 $0x1BF5;
	[smem:$0x3FB1] =	sst s0  }
0x18: {  	s0 =	sld [smem:$0x3F94];
	_ =	swait.ge [sflag:s4], $0x0  }
0x19: {  	s7 =	sld [smem:$0x3F95]  }
0x1a: {  	s8 =	sadd.s32 $0xFFFFE003, lr  }
0x1b: {  	s9 =	sadd.s32 $0xFFFFFEF7, lr;
	s5 =	simm.s32 $0xFFFFFFFF;
	p2 =	slt.u32 s8, $0xFFFFF086  }
0x1c: {  	p1 =	slt.u32 s9, $0xF7A;
	s5 =	simm.s32 @!p2 $0x0  }
0x1d: {  	s5 =	simm.s32 @p1 $0x1;
	p0 =	seq.s32 s7, s2  }
0x1e: {  	s7 =	smul.u32 @!p0 $0xF7A, s2;
	p2 =	seq.s32 @!p0 s5, $0x0  }
0x1f: {  	s9 =	smul.u32 $0xF7A, s1;
	s8 =	simm.s32 @!p0 $0x1BF5;
	p2 =	por !p2, p0  }
0x20: {  	[sflag:s8] =	ssyncset.s32 @!p0 $0xFFFFF086;
	s6 =	sadd.s32 @!p0 s3, s7;
	s7 =	simm.s32 @!p0 $0x108  }
0x21: {  	s3 =	sadd.s32 s3, s9;
	s6 =	sadd.s32 @!p0 $0x88, s6;
	s7 =	simm.s32 @p2 $0x1082  }
0x22: {  	[simem:s7], [sflag:s8] =	dma.local @!p0 [hbm:s6], $0xF7A  }
0x23: {  	s9 =	sor.u32 $0xD0000000, s2;
	s6 =	simm.s32 $0x108;
	_ =	swait.ge @!p0 [sflag:s8], $0x0  }
0x24: {  	s3 =	sadd.s32 $0x88, s3;
	s6 =	simm.s32 @!p1 $0x1082;
	[sflag:s4] =	ssyncset.s32 $0xFFFFF086  }
0x25: {  	[simem:s6], [sflag:s4] =	dma.local [hbm:s3], $0xF7A  }
0x26: {  	[smem:$0x3F95] =	sst s1;
	(tag) =	ssettag s2;
	_ =	strace s9  }
0x27: {  	s1 =	sld [smem:$0x3FA5]  }
0x28: {  	s2 =	sld [smem:$0x3FA6]  }
0x29: {  	s4 =	sld [smem:$0x3FA8]  }
0x2a: {  	p0 =	seq.s32 s5, $0x0;
	s5 =	sld [smem:$0x3FA9]  }
0x2b: {  	s6 =	sld [smem:$0x3FAA]  }
0x2c: {  	s7 =	sld [smem:$0x3FAB]  }
0x2d: {  	s3 =	simm.s32 $0x108;
	s8 =	sld [smem:$0x3FAC]  }
0x2e: {  	s3 =	simm.s32 @!p0 $0x1082;
	s9 =	sld [smem:$0x3FAD]  }
0x2f: {  	lr =	sadd.s32 s0, s3;
	s0 =	sld [smem:$0x3FA4]  }
0x30: {  	s3 =	sld [smem:$0x3FA7]  }
0x31: {  	[smem:$0x3FB0] =	sst s10  }
0x32: {  	s10 =	sld [smem:$0x3FAE];
	_ =	sdelay $0x3  }
0x33: {  	p0 =	seq.s32 s10, $0x1;
	s10 =	sld [smem:$0x3FB0];
	_ =	sdelay $0x3  }
0x34: {  	[smem:$0x3FB0] =	sst s10  }
0x35: {  	s10 =	sld [smem:$0x3FAF];
	_ =	sdelay $0x3  }
0x36: {  	p1 =	seq.s32 s10, $0x1;
	s10 =	sld [smem:$0x3FB0];
	_ =	sdelay $0x3  }
0x37: {  	[smem:$0x3FB0] =	sst s10  }
0x38: {  	s10 =	sld [smem:$0x3FB1]  }
0x39: {  	_ = 	snop;
	(pc) =	sbr.ind lr, $3  }
0x3a: {  	_ = 	snop  }
0x3b: {  	_ = 	snop  }
0x3c: {  	p2 =	seq.s32 s10, $0x1;
	s10 =	sld [smem:$0x3FB0]  }
0x3d: {  	_ =	shalt  }
0x3e: {  	_ =	shalt  }
0x3f: {  	_ =	shalt  }
0x40: {  	_ =	shalt  }
0x41: {  	_ =	shalt  }
0x42: {  	_ =	shalt  }
0x43: {  	_ =	shalt  }
0x44: {  	_ =	shalt  }
0x45: {  	_ =	shalt  }
0x46: {  	_ =	shalt  }
0x47: {  	_ =	shalt  }
0x48: {  	_ =	shalt  }
0x49: {  	_ =	shalt  }
0x4a: {  	_ =	shalt  }
0x4b: {  	_ =	shalt  }
0x4c: {  	_ =	shalt  }
0x4d: {  	_ =	shalt  }
0x4e: {  	_ =	shalt  }
0x4f: {  	_ =	shalt  }
0x50: {  	_ =	shalt  }
0x51: {  	_ =	shalt  }
0x52: {  	_ =	shalt  }
0x53: {  	_ =	shalt  }
0x54: {  	_ =	shalt  }
0x55: {  	_ =	shalt  }
0x56: {  	_ =	shalt  }
0x57: {  	_ =	shalt  }
0x58: {  	_ =	shalt  }
0x59: {  	_ =	shalt  }
0x5a: {  	_ =	shalt  }
0x5b: {  	_ =	shalt  }
0x5c: {  	_ =	shalt  }
0x5d: {  	_ =	shalt  }
0x5e: {  	_ =	shalt  }
0x5f: {  	_ =	shalt  }
0x60: {  	_ =	shalt  }
0x61: {  	_ =	shalt  }
0x62: {  	_ =	shalt  }
0x63: {  	_ =	shalt  }
0x64: {  	_ =	shalt  }
0x65: {  	_ =	shalt  }
0x66: {  	_ =	shalt  }
0x67: {  	_ =	shalt  }
0x68: {  	_ =	shalt  }
0x69: {  	_ =	shalt  }
0x6a: {  	_ =	shalt  }
0x6b: {  	_ =	shalt  }
0x6c: {  	_ =	shalt  }
0x6d: {  	_ =	shalt  }
0x6e: {  	_ =	shalt  }
0x6f: {  	_ =	shalt  }
0x70: {  	_ =	shalt  }
0x71: {  	_ =	shalt  }
0x72: {  	_ =	shalt  }
0x73: {  	_ =	shalt  }
0x74: {  	_ =	shalt  }
0x75: {  	_ =	shalt  }
0x76: {  	_ =	shalt  }
0x77: {  	_ =	shalt  }
0x78: {  	_ =	shalt  }
0x79: {  	_ =	shalt  }
0x7a: {  	_ =	shalt  }
0x7b: {  	_ =	shalt  }
0x7c: {  	_ =	shalt  }
0x7d: {  	_ =	shalt  }
0x7e: {  	_ =	shalt  }
0x7f: {  	_ =	shalt  }
0x80: {  	_ =	shalt  }
0x81: {  	_ =	shalt  }
0x82: {  	_ =	shalt  }
0x83: {  	_ =	shalt  }
0x84: {  	_ =	shalt  }
0x85: {  	_ =	shalt  }
0x86: {  	_ =	shalt  }
0x87: {  	_ =	shalt  }
.Lfunc_end0:
.L_simem_size_0:
called_computation_lowered:
.L_overlay_start_0:
0x88: {  	s2 =	sld [smem:$0x3FD9]  }
0x89: {  	s3 =	sld [smem:$0x3FFE];
	_ =	sdelay $0x1  }
0x8a: {  	s1 =	srdreg.scid  }
0x8b: {  	s0 =	sand.u32 $0x1, s1  }
0x8c: {  	s17 =	sshll.u32 s0, $0xA;
	s2 =	sadd.s32 s3, s2  }
0x8d: {  	s2 =	sadd.s32 s2, s17  }
0x8e: {  	[smem:$0x3FBC] =	sst s2  }
0x8f: {  	_ = 	snop  }
0x90: {  	s2 =	sld [smem:$0x3FD0];
	(tm) =	ssettm $0x1  }
0x91: {  	s18 =	sld [smem:$0x3FFB];
	_ =	sdelay $0x3  }
0x92: {  	_ =	strace s18  }
0x93: {  	s3 =	sld [smem:$0x3FFC];
	_ =	sdelay $0x3  }
0x94: {  	_ =	strace s3  }
0x95: {  	s3 =	sld [smem:$0x3FFD];
	_ =	sdelay $0x3  }
0x96: {  	_ =	strace s3  }
0x97: {  	_ =	strace $0x8FFFFFFF  }
0x98: {  	s19 =	sld [smem:$0x3FDB];
	_ =	sdelay $0x1  }
0x99: {  	s4 =	simm.s32 $_scs_section_size  }
0x9a: {  	s5 =	simm.s32 $_size__tile_overlayer_lowered;
	s6 =	simm.s32 $_tile_overlayer_lowered  }
0x9b: {  	s22 =	simm.s32 $0x1BFF;
	s21 =	sshll.u32 s6, $0x1;
	s3 =	sadd.s32 s4, s19  }
0x9c: {  	s7 =	simm.s32 $0x0;
	s20 =	sshll.u32 s5, $0x1;
	s5 =	sadd.s32 s21, s3  }
0x9d: {  	[timem:s7], [sflag:s22] =	dma.local [hbm:s5], s20  }
0x9e: {  	_ =	swait.ge [sflag:s22], s20  }
0x9f: {  	s4 =	ssub.s32 $0x0, s20;
	[sflag:s22] =	ssyncset.done $0x0  }
0xa0: {  	[sflag:s22] =	ssyncadd.s32 s4;
	_ =	sdelay $0x1  }
0xa1: {  	s23 =	simm.s32 $0x1B8B  }
0xa2: {  	_ =	swait.ge [sflag:s23], $0x1  }
0xa3: {  	[sflag:s23] =	ssyncset.done $0x0  }
0xa4: {  	s25 =	simm.s32 $0x1B8E;
	s24 =	sld [smem:$0x3FFE];
	[sflag:s23] =	ssyncadd.s32 $0xFFFFFFFF  }
0xa5: {  	s26 =	simm.s32 $execute0_lowered;
	[smem:$0x3FD2] =	sst s25  }
0xa6: {  	s5 =	sshll.u32 s26, $0x1;
	_ =	strace $0x80000046;
	[dreg:$0x1] =	wrdreg $0xFFFFFFFF  }
0xa7: {  	s28 =	simm.s32 $_size_execute0_lowered;
	s3 =	sadd.s32 s3, s5;
	[dreg:$0x0] =	wrdreg $0x0  }
0xa8: {  	s5 =	sshll.u32 s28, $0x1;
	[dreg:$0x2] =	wrdreg s3  }
0xa9: {  	[dreg:$0x3] =	wrdreg s5  }
0xaa: {  	[dreg:$0x4] =	wrdreg $0xC0  }
0xab: {  	_ =	task [dreg:s7], $0x5FFFF  }
0xac: {  	[dreg:$0x1] =	wrdreg $0xFFFFFFFF  }
0xad: {  	[dreg:$0x0] =	wrdreg $0x60  }
0xae: {  	[dreg:$0x2] =	wrdreg s2  }
0xaf: {  	[dreg:$0x3] =	wrdreg s24  }
0xb0: {  	[dreg:$0x4] =	wrdreg $0x0  }
0xb1: {  	[dreg:$0x5] =	wrdreg $0x9  }
0xb2: {  	_ =	task.clear_ibuf [dreg:s7], $0x6FFFF;
	_ =	strace $0x90000046  }
0xb3: {  	s29 =	simm.s32 $0x9;
	_ =	strace $0x80000048  }
0xb4: {  	_ =	swait.ge [sflag:s29], $0x1  }
0xb5: {  	[sflag:s29] =	ssyncadd.s32 $0xFFFFFFFF  }
0xb6: {  	_ =	strace $0x90000048  }
0xb7: {  	_ =	sfence  }
0xb8: {  	s30 =	sld [smem:$0x0];
	_ =	sdelay $0x2  }
0xb9: {  	s31 =	sshll.u32 s1, $0xD;
	s1 =	sshrl.u32 s1, $0x2  }
0xba: {  	s3 =	sand.u32 $0x4000, s31;
	s1 =	sadd.s32 s1, s30  }
0xbb: {  	s0 =	sor.u32 s3, s0;
	s1 =	sshll.u32 s1, $0x11  }
0xbc: {  	s0 =	sor.u32 s1, s0  }
0xbd: {  	s0 =	sadd.s32 $0x8F2B, s0  }
0xbe: {  	[sflag:s0] =	ssyncadd.remote.s32 $0x1  }
0xbf: {  	_ =	sfence.sel $0xFFFF  }
0xc0: {  	[dreg:$0x0] =	wrdreg $0xFFFFFFFF;
	(pc) =	sbr.abs _section_cstart, $3  }
0xc1: {  	[dreg:$0x1] =	wrdreg $0xFFFFFFFF  }
0xc2: {  	_ =	task.clear_ibuf [dreg:s7], $0x2FFFF;
	_ =	strace $0x9FFFFFFF  }
0xc3: {  	(tm) =	ssettm $0x7FFFFFFF  }
tec
execute0_lowered:
.L_overlay_start_1:
0x0: {  	(tag) =	ssettag $0x1  }
0x1: {  	s6 =	rddreg [dreg:$0x0]  }
0x2: {  	s7 =	rddreg [dreg:$0x1]  }
0x3: {  	s2 =	rddreg [dreg:$0x2]  }
0x4: {  	s0 =	rddreg [dreg:$0x3];
	s4 =	srdreg.scid  }
0x5: {  	s1 =	stileid.u32;
	s3 =	simm.s32 $0x0;
	s14 =	simm.s32 $0x80  }
0x6: {  	s15 =	simm.s32 $0x0;
	s5 =	sand.u32 $0x1, s4;
	s8 =	smul.u32 $0x2780, s1  }
0x7: {  	[smem:$0x7FF] =	sst s3;
	s4 =	sadd.s32 $0x2800, s7;
	s31 =	sshll.u32 s1, $0x6  }
0x8: {  	s9 =	smul.u32 $0x27800, s5;
	_ =	strace $0x80000047;
	s10 =	sshll.u32 s5, $0x4  }
0x9: {  	s11 =	ssub.s32 $0x2, s5;
	s5 =	sadd.s32 $0x2600, s7;
	s28 =	sor.u32 s1, s10  }
0xa: {  	s29 =	sshrl.u32 s11, $0x1;
	s13 =	sadd.s32 s8, s2;
	s10 =	simm.s32 $0x1  }
0xb: {  	s9 =	sadd.s32 s8, s9;
	s12 =	smul.u32 $0x4F0, s28;
	s30 =	ssub.s32 s11, s29  }
0xc: {  	s11 =	sor.u32 $0x1C01, s31;
	s9 =	sshrl.u32 s9, $0x3;
	s8 =	smax.u32 s30, $0x1  }
0xd: {  	s7 =	sadd.s32 s9, s7;
	s6 =	sadd.s32 s6, s12;
	s9 =	simm.s32 $0x2780  }
0xe: {  	s12 =	sshrl.u32 s13, $0x3;
	s13 =	simm.s32 $0x2F80;
	s7 =	sadd.s32 $0x2E00, s7  }
.LBB2_1:
0xf: {  	[tilespmem:s9], [sflag:$0x1] =	stream.linear.gather [hbm4b:s5+s3], $0x800, $0x38;
	[tilespmem:$0x5700] =	vst v63  }
0x10: {  	_ =	swait.ge [sflag:s10], $0x800  }
0x11: {  	[sflag:s10] =	ssyncset.done $0x0  }
0x12: {  	[sflag:s10] =	ssyncadd.s32 $0xFFFFF800  }
0x13: {  	[spmem:s12], [sflag:s11] =	dma.local [hbm:s4], $0x4F0  }
0x14: {  	_ =	swait.ge [sflag:s10], $0x4F0  }
0x15: {  	[sflag:s10] =	ssyncset.done $0x0  }
0x16: {  	[sflag:s10] =	ssyncadd.s32 $0xFFFFFB10  }
0x17: {  	[bflag:$0x0] =	sbarrier.arrive $0xFFFF  }
0x18: {  	[tilespmem:s13], [sflag:$0x1] =	stream.linear.gather [hbm4b:s6+s3], $0x2780, $0x38;
	[tilespmem:$0x5700] =	vst v63  }
0x19: {  	_ =	swait.ge [sflag:s10], $0x2780  }
0x1a: {  	[sflag:s10] =	ssyncset.done $0x0  }
0x1b: {  	s16 =	simm.s32 $0x2F80;
	[sflag:s10] =	ssyncadd.s32 $0xFFFFD880  }
0x1c: {  	[spmem:s2] =	stream.indirect.scatter.add.f32 [tilespmem:s9], [sflag:$0x1], $0x10, s16, s14, $0xb8;
	[tilespmem:$0x5700] =	vst v63  }
0x1d: {  	s16 =	simm.s32 $0x200;
	_ =	swait.ge [sflag:s10], $0x800  }
.LBB2_2:
0x1e: {  	s17 =	sshra.s32 s16, $0x2;
	[sflag:s10] =	ssyncset.done $0x0;
	p0 =	sne.s32 s16, $0x9C00  }
.Ltmp0:
0x1f: {  	s17 =	sadd.s32 $0x2F80, s17;
	[sflag:s10] =	ssyncadd.s32 $0xFFFFF800;
	(pc) =	sbr.rel @p0 .LBB2_2-.Ltmp0, $3  }
0x20: {  	[spmem:s2] =	stream.indirect.scatter.add.f32 [tilespmem:s9], [sflag:$0x1], $0x10, s17, s14, $0xb8;
	[tilespmem:$0x5700] =	vst v63  }
0x21: {  	s16 =	sadd.s32 $0x200, s16;
	_ =	sdelay $0x1  }
0x22: {  	_ =	swait.ge [sflag:s10], $0x800  }
0x23: {  	[sflag:s10] =	ssyncset.done $0x0;
	s15 =	sadd.s32 $0x1, s15  }
0x24: {  	[sflag:s10] =	ssyncadd.s32 $0xFFFFF800;
	p0 =	sne.s32 s15, s8  }
.Ltmp1:
0x25: {  	[bflag:$0x0] =	sbarrier.arrive $0xFFFF;
	(pc) =	sbr.rel @p0 .LBB2_1-.Ltmp1, $4  }
0x26: {  	[hbm:s7], [sflag:s11] =	dma.local [spmem:s12], $0x4F0  }
0x27: {  	_ =	swait.ge [sflag:s10], $0x4F0  }
0x28: {  	[sflag:s10] =	ssyncset.done $0x0  }
0x29: {  	[sflag:s10] =	ssyncadd.s32 $0xFFFFFB10  }
0x2a: {  	_ =	sfence.sel $0x180000  }
0x2b: {  	[bflag:$0x0] =	sbarrier.arrive $0xFFFF  }
0x2c: {  	p0 =	sne.s32 s1, $0x0;
	_ =	strace $0x90000047  }
0x2d: {  	s0 =	sadd.s32 @!p0 $0x100000, s0;
	[bflag:$0x2] =	sbarrier.arrive $0xFFFF  }
0x2e: {  	[sflag:s0] =	ssyncadd.tile.s32 @!p0 $0x1;
	_ =	shalt  }
.Lfunc_end2:
_tile_overlayer_lowered:
.L_overlay_start_2:
0x2f: {  	(tag) =	ssettag $0x2  }
0x30: {  	s0 =	rddreg [dreg:$0x0];
	s2 =	stileid.u32  }
0x31: {  	s1 =	rddreg [dreg:$0x1];
	p0 =	sne.s32 s2, $0x0  }
0x32: {  	s3 =	rddreg [dreg:$0x2];
	[bflag:$0x3] =	sbarrier.arrive $0xFFFF;
	s2 =	simm.s32 @!p0 $0x1C01  }
0x33: {  	[timem:s3], [sflag:s2] =	dma.local @!p0 [hbm:s0], s1  }
0x34: {  	s0 =	simm.s32 @!p0 $0x1  }
0x35: {  	_ =	swait.ge @!p0 [sflag:s0], s1  }
0x36: {  	s1 =	ssub.s32 @!p0 $0x0, s1;
	[sflag:s0] =	ssyncset.done @!p0 $0x0  }
0x37: {  	[sflag:s0] =	ssyncadd.s32 @!p0 s1  }
0x38: {  	[bflag:$0x3] =	sbarrier.arrive $0xFFFF  }
0x39: {  	_ =	shalt  }

// kernel: kernel.13.cloned.1.call-start
scs
__scs_entry_jumppad:
0x0: {  	(pc) =	sbr.rel $0x88, $3  }
0x1: {  	(tag) =	ssettag $0x0;
	lr =	simm.s32 $0x1  }
0x2: {  	[smem:$0x3F95] =	sst lr;
	_ =	strace $0xD0000000  }
0x3: {  	_ = 	snop  }
0x4: {  	_ = 	snop  }
0x5: {  	_ = 	snop  }
0x6: {  	_ = 	snop  }
0x7: {  	_ = 	snop  }
__scs_overlays_trampoline_lowered:
0x8: {  	[smem:$0x3FA4] =	sst s0  }
0x9: {  	[smem:$0x3FA5] =	sst s1  }
0xa: {  	[smem:$0x3FA6] =	sst s2  }
0xb: {  	[smem:$0x3FA7] =	sst s3  }
0xc: {  	[smem:$0x3FA8] =	sst s4  }
0xd: {  	[smem:$0x3FA9] =	sst s5  }
0xe: {  	[smem:$0x3FAA] =	sst s6  }
0xf: {  	[smem:$0x3FAB] =	sst s7  }
0x10: {  	[smem:$0x3FAC] =	sst s8  }
0x11: {  	[smem:$0x3FAD] =	sst s9;
	s0 =	simm.s32 @!p0 $0x0  }
0x12: {  	s1 =	sld [smem:$0x3F93];
	s0 =	simm.s32 @p0 $0x1  }
0x13: {  	[smem:$0x3FAE] =	sst s0;
	s0 =	simm.s32 @!p1 $0x0  }
0x14: {  	s2 =	sld [smem:$0x3F92];
	s0 =	simm.s32 @p1 $0x1  }
0x15: {  	[smem:$0x3FAF] =	sst s0;
	s0 =	simm.s32 @!p2 $0x0  }
0x16: {  	s3 =	sld [smem:$0x3FDB];
	s0 =	simm.s32 @p2 $0x1  }
0x17: {  	s4 =	simm.s32 $0x1BF5;
	[smem:$0x3FB1] =	sst s0  }
0x18: {  	s0 =	sld [smem:$0x3F94];
	_ =	swait.ge [sflag:s4], $0x0  }
0x19: {  	s7 =	sld [smem:$0x3F95]  }
0x1a: {  	s8 =	sadd.s32 $0xFFFFE003, lr  }
0x1b: {  	s9 =	sadd.s32 $0xFFFFFEF7, lr;
	s5 =	simm.s32 $0xFFFFFFFF;
	p2 =	slt.u32 s8, $0xFFFFF086  }
0x1c: {  	p1 =	slt.u32 s9, $0xF7A;
	s5 =	simm.s32 @!p2 $0x0  }
0x1d: {  	s5 =	simm.s32 @p1 $0x1;
	p0 =	seq.s32 s7, s2  }
0x1e: {  	s7 =	smul.u32 @!p0 $0xF7A, s2;
	p2 =	seq.s32 @!p0 s5, $0x0  }
0x1f: {  	s9 =	smul.u32 $0xF7A, s1;
	s8 =	simm.s32 @!p0 $0x1BF5;
	p2 =	por !p2, p0  }
0x20: {  	[sflag:s8] =	ssyncset.s32 @!p0 $0xFFFFF086;
	s6 =	sadd.s32 @!p0 s3, s7;
	s7 =	simm.s32 @!p0 $0x108  }
0x21: {  	s3 =	sadd.s32 s3, s9;
	s6 =	sadd.s32 @!p0 $0x88, s6;
	s7 =	simm.s32 @p2 $0x1082  }
0x22: {  	[simem:s7], [sflag:s8] =	dma.local @!p0 [hbm:s6], $0xF7A  }
0x23: {  	s9 =	sor.u32 $0xD0000000, s2;
	s6 =	simm.s32 $0x108;
	_ =	swait.ge @!p0 [sflag:s8], $0x0  }
0x24: {  	s3 =	sadd.s32 $0x88, s3;
	s6 =	simm.s32 @!p1 $0x1082;
	[sflag:s4] =	ssyncset.s32 $0xFFFFF086  }
0x25: {  	[simem:s6], [sflag:s4] =	dma.local [hbm:s3], $0xF7A  }
0x26: {  	[smem:$0x3F95] =	sst s1;
	(tag) =	ssettag s2;
	_ =	strace s9  }
0x27: {  	s1 =	sld [smem:$0x3FA5]  }
0x28: {  	s2 =	sld [smem:$0x3FA6]  }
0x29: {  	s4 =	sld [smem:$0x3FA8]  }
0x2a: {  	p0 =	seq.s32 s5, $0x0;
	s5 =	sld [smem:$0x3FA9]  }
0x2b: {  	s6 =	sld [smem:$0x3FAA]  }
0x2c: {  	s7 =	sld [smem:$0x3FAB]  }
0x2d: {  	s3 =	simm.s32 $0x108;
	s8 =	sld [smem:$0x3FAC]  }
0x2e: {  	s3 =	simm.s32 @!p0 $0x1082;
	s9 =	sld [smem:$0x3FAD]  }
0x2f: {  	lr =	sadd.s32 s0, s3;
	s0 =	sld [smem:$0x3FA4]  }
0x30: {  	s3 =	sld [smem:$0x3FA7]  }
0x31: {  	[smem:$0x3FB0] =	sst s10  }
0x32: {  	s10 =	sld [smem:$0x3FAE];
	_ =	sdelay $0x3  }
0x33: {  	p0 =	seq.s32 s10, $0x1;
	s10 =	sld [smem:$0x3FB0];
	_ =	sdelay $0x3  }
0x34: {  	[smem:$0x3FB0] =	sst s10  }
0x35: {  	s10 =	sld [smem:$0x3FAF];
	_ =	sdelay $0x3  }
0x36: {  	p1 =	seq.s32 s10, $0x1;
	s10 =	sld [smem:$0x3FB0];
	_ =	sdelay $0x3  }
0x37: {  	[smem:$0x3FB0] =	sst s10  }
0x38: {  	s10 =	sld [smem:$0x3FB1]  }
0x39: {  	_ = 	snop;
	(pc) =	sbr.ind lr, $3  }
0x3a: {  	_ = 	snop  }
0x3b: {  	_ = 	snop  }
0x3c: {  	p2 =	seq.s32 s10, $0x1;
	s10 =	sld [smem:$0x3FB0]  }
0x3d: {  	_ =	shalt  }
0x3e: {  	_ =	shalt  }
0x3f: {  	_ =	shalt  }
0x40: {  	_ =	shalt  }
0x41: {  	_ =	shalt  }
0x42: {  	_ =	shalt  }
0x43: {  	_ =	shalt  }
0x44: {  	_ =	shalt  }
0x45: {  	_ =	shalt  }
0x46: {  	_ =	shalt  }
0x47: {  	_ =	shalt  }
0x48: {  	_ =	shalt  }
0x49: {  	_ =	shalt  }
0x4a: {  	_ =	shalt  }
0x4b: {  	_ =	shalt  }
0x4c: {  	_ =	shalt  }
0x4d: {  	_ =	shalt  }
0x4e: {  	_ =	shalt  }
0x4f: {  	_ =	shalt  }
0x50: {  	_ =	shalt  }
0x51: {  	_ =	shalt  }
0x52: {  	_ =	shalt  }
0x53: {  	_ =	shalt  }
0x54: {  	_ =	shalt  }
0x55: {  	_ =	shalt  }
0x56: {  	_ =	shalt  }
0x57: {  	_ =	shalt  }
0x58: {  	_ =	shalt  }
0x59: {  	_ =	shalt  }
0x5a: {  	_ =	shalt  }
0x5b: {  	_ =	shalt  }
0x5c: {  	_ =	shalt  }
0x5d: {  	_ =	shalt  }
0x5e: {  	_ =	shalt  }
0x5f: {  	_ =	shalt  }
0x60: {  	_ =	shalt  }
0x61: {  	_ =	shalt  }
0x62: {  	_ =	shalt  }
0x63: {  	_ =	shalt  }
0x64: {  	_ =	shalt  }
0x65: {  	_ =	shalt  }
0x66: {  	_ =	shalt  }
0x67: {  	_ =	shalt  }
0x68: {  	_ =	shalt  }
0x69: {  	_ =	shalt  }
0x6a: {  	_ =	shalt  }
0x6b: {  	_ =	shalt  }
0x6c: {  	_ =	shalt  }
0x6d: {  	_ =	shalt  }
0x6e: {  	_ =	shalt  }
0x6f: {  	_ =	shalt  }
0x70: {  	_ =	shalt  }
0x71: {  	_ =	shalt  }
0x72: {  	_ =	shalt  }
0x73: {  	_ =	shalt  }
0x74: {  	_ =	shalt  }
0x75: {  	_ =	shalt  }
0x76: {  	_ =	shalt  }
0x77: {  	_ =	shalt  }
0x78: {  	_ =	shalt  }
0x79: {  	_ =	shalt  }
0x7a: {  	_ =	shalt  }
0x7b: {  	_ =	shalt  }
0x7c: {  	_ =	shalt  }
0x7d: {  	_ =	shalt  }
0x7e: {  	_ =	shalt  }
0x7f: {  	_ =	shalt  }
0x80: {  	_ =	shalt  }
0x81: {  	_ =	shalt  }
0x82: {  	_ =	shalt  }
0x83: {  	_ =	shalt  }
0x84: {  	_ =	shalt  }
0x85: {  	_ =	shalt  }
0x86: {  	_ =	shalt  }
0x87: {  	_ =	shalt  }
.Lfunc_end0:
.L_simem_size_0:
called_computation.1_lowered:
.L_overlay_start_0:
0x88: {  	s2 =	sld [smem:$0x3FD9]  }
0x89: {  	s3 =	sld [smem:$0x3FFE];
	_ =	sdelay $0x1  }
0x8a: {  	s1 =	srdreg.scid  }
0x8b: {  	s0 =	sand.u32 $0x1, s1  }
0x8c: {  	s17 =	sshll.u32 s0, $0xA;
	s2 =	sadd.s32 s3, s2  }
0x8d: {  	s2 =	sadd.s32 s2, s17  }
0x8e: {  	[smem:$0x3FBC] =	sst s2  }
0x8f: {  	_ = 	snop  }
0x90: {  	s2 =	sld [smem:$0x3FD0];
	(tm) =	ssettm $0x1  }
0x91: {  	s18 =	sld [smem:$0x3FFB];
	_ =	sdelay $0x3  }
0x92: {  	_ =	strace s18  }
0x93: {  	s3 =	sld [smem:$0x3FFC];
	_ =	sdelay $0x3  }
0x94: {  	_ =	strace s3  }
0x95: {  	s3 =	sld [smem:$0x3FFD];
	_ =	sdelay $0x3  }
0x96: {  	_ =	strace s3  }
0x97: {  	_ =	strace $0x8FFFFFFF  }
0x98: {  	s19 =	sld [smem:$0x3FDB];
	_ =	sdelay $0x1  }
0x99: {  	s4 =	simm.s32 $_scs_section_size  }
0x9a: {  	s5 =	simm.s32 $_size__tile_overlayer_lowered;
	s6 =	simm.s32 $_tile_overlayer_lowered  }
0x9b: {  	s22 =	simm.s32 $0x1BFF;
	s21 =	sshll.u32 s6, $0x1;
	s3 =	sadd.s32 s4, s19  }
0x9c: {  	s7 =	simm.s32 $0x0;
	s20 =	sshll.u32 s5, $0x1;
	s5 =	sadd.s32 s21, s3  }
0x9d: {  	[timem:s7], [sflag:s22] =	dma.local [hbm:s5], s20  }
0x9e: {  	_ =	swait.ge [sflag:s22], s20  }
0x9f: {  	s4 =	ssub.s32 $0x0, s20;
	[sflag:s22] =	ssyncset.done $0x0  }
0xa0: {  	[sflag:s22] =	ssyncadd.s32 s4;
	_ =	sdelay $0x1  }
0xa1: {  	s23 =	simm.s32 $0x1B8B  }
0xa2: {  	_ =	swait.ge [sflag:s23], $0x1  }
0xa3: {  	[sflag:s23] =	ssyncset.done $0x0  }
0xa4: {  	s25 =	simm.s32 $0x1B8E;
	s24 =	sld [smem:$0x3FFE];
	[sflag:s23] =	ssyncadd.s32 $0xFFFFFFFF  }
0xa5: {  	s26 =	simm.s32 $execute0_lowered;
	[smem:$0x3FD2] =	sst s25  }
0xa6: {  	s5 =	sshll.u32 s26, $0x1;
	_ =	strace $0x80000049;
	[dreg:$0x1] =	wrdreg $0xFFFFFFFF  }
0xa7: {  	s28 =	simm.s32 $_size_execute0_lowered;
	s3 =	sadd.s32 s3, s5;
	[dreg:$0x0] =	wrdreg $0x0  }
0xa8: {  	s5 =	sshll.u32 s28, $0x1;
	[dreg:$0x2] =	wrdreg s3  }
0xa9: {  	[dreg:$0x3] =	wrdreg s5  }
0xaa: {  	[dreg:$0x4] =	wrdreg $0xC0  }
0xab: {  	_ =	task [dreg:s7], $0x5FFFF  }
0xac: {  	[dreg:$0x1] =	wrdreg $0xFFFFFFFF  }
0xad: {  	[dreg:$0x0] =	wrdreg $0x60  }
0xae: {  	[dreg:$0x2] =	wrdreg s24  }
0xaf: {  	[dreg:$0x3] =	wrdreg s2  }
0xb0: {  	[dreg:$0x4] =	wrdreg $0x9E000  }
0xb1: {  	[dreg:$0x5] =	wrdreg $0x0  }
0xb2: {  	[dreg:$0x6] =	wrdreg $0x9  }
0xb3: {  	_ =	task.clear_ibuf [dreg:s7], $0x7FFFF;
	_ =	strace $0x90000049  }
0xb4: {  	s29 =	simm.s32 $0x9;
	_ =	strace $0x8000004B  }
0xb5: {  	_ =	swait.ge [sflag:s29], $0x1  }
0xb6: {  	[sflag:s29] =	ssyncadd.s32 $0xFFFFFFFF  }
0xb7: {  	_ =	strace $0x9000004B  }
0xb8: {  	_ =	sfence  }
0xb9: {  	s30 =	sld [smem:$0x0];
	_ =	sdelay $0x2  }
0xba: {  	s31 =	sshll.u32 s1, $0xD;
	s1 =	sshrl.u32 s1, $0x2  }
0xbb: {  	s3 =	sand.u32 $0x4000, s31;
	s1 =	sadd.s32 s1, s30  }
0xbc: {  	s0 =	sor.u32 s3, s0;
	s1 =	sshll.u32 s1, $0x11  }
0xbd: {  	s0 =	sor.u32 s1, s0  }
0xbe: {  	s0 =	sadd.s32 $0x8F2B, s0  }
0xbf: {  	[sflag:s0] =	ssyncadd.remote.s32 $0x1  }
0xc0: {  	_ =	sfence.sel $0xFFFF  }
0xc1: {  	[dreg:$0x0] =	wrdreg $0xFFFFFFFF;
	(pc) =	sbr.abs _section_cstart, $3  }
0xc2: {  	[dreg:$0x1] =	wrdreg $0xFFFFFFFF  }
0xc3: {  	_ =	task.clear_ibuf [dreg:s7], $0x2FFFF;
	_ =	strace $0x9FFFFFFF  }
0xc4: {  	(tm) =	ssettm $0x7FFFFFFF  }
0xc5: {  	_ =	shalt  }
tec
execute0_lowered:
.L_overlay_start_1:
0x0: {  	(tag) =	ssettag $0x1  }
0x1: {  	s6 =	rddreg [dreg:$0x0]  }
0x2: {  	s1 =	rddreg [dreg:$0x1]  }
0x3: {  	s3 =	rddreg [dreg:$0x2]  }
0x4: {  	s0 =	srdreg.scid;
	s4 =	rddreg [dreg:$0x3]  }
0x5: {  	s2 =	rddreg [dreg:$0x4];
	s5 =	simm.s32 $0x0;
	s15 =	simm.s32 $0x13C00  }
0x6: {  	s16 =	simm.s32 $0x18A80;
	s17 =	simm.s32 $0x80;
	s7 =	sand.u32 $0x1, s0  }
0x7: {  	s18 =	simm.s32 $0x1D900;
	s0 =	stileid.u32;
	s8 =	smul.u32 $0x9E000, s7  }
0x8: {  	s19 =	simm.s32 $0x0;
	[smem:$0x7FF] =	sst s5;
	s9 =	smul.u32 $0x9E00, s0  }
0x9: {  	s10 =	smul.u32 $0x9D0, s0;
	_ =	strace $0x8000004A;
	s7 =	ssub.s32 $0x2, s7  }
0xa: {  	s31 =	sshll.u32 s0, $0x6;
	s30 =	sshrl.u32 s7, $0x1;
	s8 =	sadd.s32 s9, s8  }
0xb: {  	s10 =	sadd.s32 s10, s6;
	s12 =	ssub.s32 s7, s30;
	s13 =	sadd.s32 s9, s3  }
0xc: {  	s7 =	sor.u32 $0x1C01, s31;
	s14 =	sadd.s32 s9, s4;
	s8 =	sshrl.u32 s8, $0x3  }
0xd: {  	s9 =	sadd.s32 $0xCC00, s10;
	s14 =	sshrl.u32 s14, $0x3;
	s11 =	sadd.s32 s8, s6  }
0xe: {  	s8 =	sadd.s32 $0x16A00, s10;
	s6 =	sadd.s32 $0x6F800, s11;
	s10 =	sadd.s32 $0x97000, s11  }
0xf: {  	s11 =	smax.u32 s12, $0x1;
	s12 =	sshrl.u32 s13, $0x3;
	s13 =	simm.s32 $0x1  }
.LBB2_1:
0x10: {  	[spmem:s12], [sflag:s7] =	dma.local [hbm:s6], $0x13C0  }
0x11: {  	_ =	swait.ge [sflag:s13], $0x13C0  }
0x12: {  	[sflag:s13] =	ssyncset.done $0x0  }
0x13: {  	[sflag:s13] =	ssyncadd.s32 $0xFFFFEC40  }
0x14: {  	[spmem:s14], [sflag:s7] =	dma.local [hbm:s1], $0x13C0  }
0x15: {  	_ =	swait.ge [sflag:s13], $0x13C0  }
0x16: {  	[sflag:s13] =	ssyncset.done $0x0  }
0x17: {  	[sflag:s13] =	ssyncadd.s32 $0xFFFFEC40  }
0x18: {  	[bflag:$0x0] =	sbarrier.arrive $0xFFFF  }
0x19: {  	[tilespmem:s15], [sflag:$0x1] =	stream.linear.gather [hbm4b:s8+s5], $0x4E80, $0x38;
	[tilespmem:$0x1F900] =	vst v63  }
0x1a: {  	_ =	swait.ge [sflag:s13], $0x4E80  }
0x1b: {  	[sflag:s13] =	ssyncset.done $0x0  }
0x1c: {  	[sflag:s13] =	ssyncadd.s32 $0xFFFFB180  }
0x1d: {  	[tilespmem:s16], [sflag:$0x1] =	stream.linear.gather [hbm4b:s9+s5], $0x4E80, $0x38;
	[tilespmem:$0x1F900] =	vst v63  }
0x1e: {  	_ =	swait.ge [sflag:s13], $0x4E80  }
0x1f: {  	[sflag:s13] =	ssyncset.done $0x0  }
0x20: {  	s20 =	simm.s32 $0x13C00;
	[sflag:s13] =	ssyncadd.s32 $0xFFFFB180  }
0x21: {  	[tilespmem:s18], [sflag:$0x1] =	stream.indirect.gather [spmem:s3], $0x40, s20, s17, $0xb8;
	[tilespmem:$0x1F900] =	vst v63  }
0x22: {  	_ =	swait.ge [sflag:s13], $0x2000  }
0x23: {  	[sflag:s13] =	ssyncset.done $0x0  }
0x24: {  	s31 =	simm.s32 $0x18A80;
	[sflag:s13] =	ssyncadd.s32 $0xFFFFE000  }
0x25: {  	[spmem:s4] =	stream.indirect.scatter.add.f32 [tilespmem:s18], [sflag:$0x1], $0x40, s31, s17, $0xb8;
	[tilespmem:$0x1F900] =	vst v63  }
0x26: {  	_ =	swait.ge [sflag:s13], $0x2000  }
0x27: {  	s21 =	simm.s32 $0x400;
	s20 =	simm.s32 $0x80;
	[sflag:s13] =	ssyncset.done $0x0  }
.LBB2_2:
0x28: {  	s22 =	sadd.s32 $0x13C00, s20  }
0x29: {  	[sflag:s13] =	ssyncadd.s32 $0xFFFFE000;
	s23 =	smov.u32 s21;
	s24 =	sadd.s32 $0x200, s21  }
0x2a: {  	[tilespmem:s18], [sflag:$0x1] =	stream.indirect.gather [spmem:s3], $0x40, s22, s17, $0xb8;
	[tilespmem:$0x1F900] =	vst v63  }
0x2b: {  	p0 =	sne.s32 s21, $0x13800;
	_ =	swait.ge [sflag:s13], $0x2000  }
.Ltmp0:
0x2c: {  	[sflag:s13] =	ssyncset.done $0x0;
	(pc) =	sbr.rel @p0 .LBB2_2-.Ltmp0, $4  }
0x2d: {  	s20 =	sadd.s32 $0x18A80, s20;
	[sflag:s13] =	ssyncadd.s32 $0xFFFFE000  }
0x2e: {  	[spmem:s4] =	stream.indirect.scatter.add.f32 [tilespmem:s18], [sflag:$0x1], $0x40, s20, s17, $0xb8;
	[tilespmem:$0x1F900] =	vst v63  }
0x2f: {  	_ =	swait.ge [sflag:s13], $0x2000  }
0x30: {  	s21 =	smov.u32 s24;
	s20 =	sshra.s32 s23, $0x2;
	[sflag:s13] =	ssyncset.done $0x0  }
0x31: {  	s21 =	sadd.s32 $0x13C00, s20;
	[sflag:s13] =	ssyncadd.s32 $0xFFFFE000  }
0x32: {  	[tilespmem:s18], [sflag:$0x1] =	stream.indirect.gather [spmem:s3], $0x40, s21, s17, $0xb8;
	[tilespmem:$0x1F900] =	vst v63  }
0x33: {  	_ =	swait.ge [sflag:s13], $0x2000  }
0x34: {  	[sflag:s13] =	ssyncset.done $0x0  }
0x35: {  	s31 =	sadd.s32 $0x18A80, s20;
	[sflag:s13] =	ssyncadd.s32 $0xFFFFE000  }
0x36: {  	[spmem:s4] =	stream.indirect.scatter.add.f32 [tilespmem:s18], [sflag:$0x1], $0x40, s31, s17, $0xb8;
	[tilespmem:$0x1F900] =	vst v63  }
0x37: {  	_ =	swait.ge [sflag:s13], $0x2000  }
0x38: {  	s19 =	sadd.s32 $0x1, s19;
	[sflag:s13] =	ssyncset.done $0x0  }
0x39: {  	p0 =	sne.s32 s19, s11;
	[sflag:s13] =	ssyncadd.s32 $0xFFFFE000  }
.Ltmp1:
0x3a: {  	[bflag:$0x0] =	sbarrier.arrive $0xFFFF;
	(pc) =	sbr.rel @p0 .LBB2_1-.Ltmp1, $4  }
0x3b: {  	[hbm:s10], [sflag:s7] =	dma.local [spmem:s14], $0x13C0  }
0x3c: {  	_ =	swait.ge [sflag:s13], $0x13C0  }
0x3d: {  	[sflag:s13] =	ssyncset.done $0x0  }
0x3e: {  	[sflag:s13] =	ssyncadd.s32 $0xFFFFEC40  }
0x3f: {  	_ =	sfence.sel $0x180000  }
0x40: {  	[bflag:$0x0] =	sbarrier.arrive $0xFFFF  }
0x41: {  	p0 =	sne.s32 s0, $0x0;
	_ =	strace $0x9000004A  }
0x42: {  	s0 =	sadd.s32 @!p0 $0x100000, s2;
	[bflag:$0x2] =	sbarrier.arrive $0xFFFF  }
0x43: {  	[sflag:s0] =	ssyncadd.tile.s32 @!p0 $0x1;
	_ =	shalt  }
.Lfunc_end2:
_tile_overlayer_lowered:
.L_overlay_start_2:
0x44: {  	(tag) =	ssettag $0x2  }
0x45: {  	s0 =	rddreg [dreg:$0x0];
	s2 =	stileid.u32  }
0x46: {  	s1 =	rddreg [dreg:$0x1];
	p0 =	sne.s32 s2, $0x0  }
0x47: {  	s3 =	rddreg [dreg:$0x2];
	[bflag:$0x3] =	sbarrier.arrive $0xFFFF;
	s2 =	simm.s32 @!p0 $0x1C01  }
0x48: {  	[timem:s3], [sflag:s2] =	dma.local @!p0 [hbm:s0], s1  }
0x49: {  	s0 =	simm.s32 @!p0 $0x1  }
0x4a: {  	_ =	swait.ge @!p0 [sflag:s0], s1  }
0x4b: {  	s1 =	ssub.s32 @!p0 $0x0, s1;
	[sflag:s0] =	ssyncset.done @!p0 $0x0  }
0x4c: {  	[sflag:s0] =	ssyncadd.s32 @!p0 s1  }
0x4d: {  	[bflag:$0x3] =	sbarrier.arrive $0xFFFF  }
0x4e: {  	_ =	shalt  }

// kernel: kernel.16.cloned.1.call-start
scs
__scs_entry_jumppad:
0x0: {  	(pc) =	sbr.rel $0x88, $3  }
0x1: {  	(tag) =	ssettag $0x0;
	lr =	simm.s32 $0x1  }
0x2: {  	[smem:$0x3F95] =	sst lr;
	_ =	strace $0xD0000000  }
0x3: {  	_ = 	snop  }
0x4: {  	_ = 	snop  }
0x5: {  	_ = 	snop  }
0x6: {  	_ = 	snop  }
0x7: {  	_ = 	snop  }
__scs_overlays_trampoline_lowered:
0x8: {  	[smem:$0x3FA4] =	sst s0  }
0x9: {  	[smem:$0x3FA5] =	sst s1  }
0xa: {  	[smem:$0x3FA6] =	sst s2  }
0xb: {  	[smem:$0x3FA7] =	sst s3  }
0xc: {  	[smem:$0x3FA8] =	sst s4  }
0xd: {  	[smem:$0x3FA9] =	sst s5  }
0xe: {  	[smem:$0x3FAA] =	sst s6  }
0xf: {  	[smem:$0x3FAB] =	sst s7  }
0x10: {  	[smem:$0x3FAC] =	sst s8  }
0x11: {  	[smem:$0x3FAD] =	sst s9;
	s0 =	simm.s32 @!p0 $0x0  }
0x12: {  	s1 =	sld [smem:$0x3F93];
	s0 =	simm.s32 @p0 $0x1  }
0x13: {  	[smem:$0x3FAE] =	sst s0;
	s0 =	simm.s32 @!p1 $0x0  }
0x14: {  	s2 =	sld [smem:$0x3F92];
	s0 =	simm.s32 @p1 $0x1  }
0x15: {  	[smem:$0x3FAF] =	sst s0;
	s0 =	simm.s32 @!p2 $0x0  }
0x16: {  	s3 =	sld [smem:$0x3FDB];
	s0 =	simm.s32 @p2 $0x1  }
0x17: {  	s4 =	simm.s32 $0x1BF5;
	[smem:$0x3FB1] =	sst s0  }
0x18: {  	s0 =	sld [smem:$0x3F94];
	_ =	swait.ge [sflag:s4], $0x0  }
0x19: {  	s7 =	sld [smem:$0x3F95]  }
0x1a: {  	s8 =	sadd.s32 $0xFFFFE003, lr  }
0x1b: {  	s9 =	sadd.s32 $0xFFFFFEF7, lr;
	s5 =	simm.s32 $0xFFFFFFFF;
	p2 =	slt.u32 s8, $0xFFFFF086  }
0x1c: {  	p1 =	slt.u32 s9, $0xF7A;
	s5 =	simm.s32 @!p2 $0x0  }
0x1d: {  	s5 =	simm.s32 @p1 $0x1;
	p0 =	seq.s32 s7, s2  }
0x1e: {  	s7 =	smul.u32 @!p0 $0xF7A, s2;
	p2 =	seq.s32 @!p0 s5, $0x0  }
0x1f: {  	s9 =	smul.u32 $0xF7A, s1;
	s8 =	simm.s32 @!p0 $0x1BF5;
	p2 =	por !p2, p0  }
0x20: {  	[sflag:s8] =	ssyncset.s32 @!p0 $0xFFFFF086;
	s6 =	sadd.s32 @!p0 s3, s7;
	s7 =	simm.s32 @!p0 $0x108  }
0x21: {  	s3 =	sadd.s32 s3, s9;
	s6 =	sadd.s32 @!p0 $0x88, s6;
	s7 =	simm.s32 @p2 $0x1082  }
0x22: {  	[simem:s7], [sflag:s8] =	dma.local @!p0 [hbm:s6], $0xF7A  }
0x23: {  	s9 =	sor.u32 $0xD0000000, s2;
	s6 =	simm.s32 $0x108;
	_ =	swait.ge @!p0 [sflag:s8], $0x0  }
0x24: {  	s3 =	sadd.s32 $0x88, s3;
	s6 =	simm.s32 @!p1 $0x1082;
	[sflag:s4] =	ssyncset.s32 $0xFFFFF086  }
0x25: {  	[simem:s6], [sflag:s4] =	dma.local [hbm:s3], $0xF7A  }
0x26: {  	[smem:$0x3F95] =	sst s1;
	(tag) =	ssettag s2;
	_ =	strace s9  }
0x27: {  	s1 =	sld [smem:$0x3FA5]  }
0x28: {  	s2 =	sld [smem:$0x3FA6]  }
0x29: {  	s4 =	sld [smem:$0x3FA8]  }
0x2a: {  	p0 =	seq.s32 s5, $0x0;
	s5 =	sld [smem:$0x3FA9]  }
0x2b: {  	s6 =	sld [smem:$0x3FAA]  }
0x2c: {  	s7 =	sld [smem:$0x3FAB]  }
0x2d: {  	s3 =	simm.s32 $0x108;
	s8 =	sld [smem:$0x3FAC]  }
0x2e: {  	s3 =	simm.s32 @!p0 $0x1082;
	s9 =	sld [smem:$0x3FAD]  }
0x2f: {  	lr =	sadd.s32 s0, s3;
	s0 =	sld [smem:$0x3FA4]  }
0x30: {  	s3 =	sld [smem:$0x3FA7]  }
0x31: {  	[smem:$0x3FB0] =	sst s10  }
0x32: {  	s10 =	sld [smem:$0x3FAE];
	_ =	sdelay $0x3  }
0x33: {  	p0 =	seq.s32 s10, $0x1;
	s10 =	sld [smem:$0x3FB0];
	_ =	sdelay $0x3  }
0x34: {  	[smem:$0x3FB0] =	sst s10  }
0x35: {  	s10 =	sld [smem:$0x3FAF];
	_ =	sdelay $0x3  }
0x36: {  	p1 =	seq.s32 s10, $0x1;
	s10 =	sld [smem:$0x3FB0];
	_ =	sdelay $0x3  }
0x37: {  	[smem:$0x3FB0] =	sst s10  }
0x38: {  	s10 =	sld [smem:$0x3FB1]  }
0x39: {  	_ = 	snop;
	(pc) =	sbr.ind lr, $3  }
0x3a: {  	_ = 	snop  }
0x3b: {  	_ = 	snop  }
0x3c: {  	p2 =	seq.s32 s10, $0x1;
	s10 =	sld [smem:$0x3FB0]  }
0x3d: {  	_ =	shalt  }
0x3e: {  	_ =	shalt  }
0x3f: {  	_ =	shalt  }
0x40: {  	_ =	shalt  }
0x41: {  	_ =	shalt  }
0x42: {  	_ =	shalt  }
0x43: {  	_ =	shalt  }
0x44: {  	_ =	shalt  }
0x45: {  	_ =	shalt  }
0x46: {  	_ =	shalt  }
0x47: {  	_ =	shalt  }
0x48: {  	_ =	shalt  }
0x49: {  	_ =	shalt  }
0x4a: {  	_ =	shalt  }
0x4b: {  	_ =	shalt  }
0x4c: {  	_ =	shalt  }
0x4d: {  	_ =	shalt  }
0x4e: {  	_ =	shalt  }
0x4f: {  	_ =	shalt  }
0x50: {  	_ =	shalt  }
0x51: {  	_ =	shalt  }
0x52: {  	_ =	shalt  }
0x53: {  	_ =	shalt  }
0x54: {  	_ =	shalt  }
0x55: {  	_ =	shalt  }
0x56: {  	_ =	shalt  }
0x57: {  	_ =	shalt  }
0x58: {  	_ =	shalt  }
0x59: {  	_ =	shalt  }
0x5a: {  	_ =	shalt  }
0x5b: {  	_ =	shalt  }
0x5c: {  	_ =	shalt  }
0x5d: {  	_ =	shalt  }
0x5e: {  	_ =	shalt  }
0x5f: {  	_ =	shalt  }
0x60: {  	_ =	shalt  }
0x61: {  	_ =	shalt  }
0x62: {  	_ =	shalt  }
0x63: {  	_ =	shalt  }
0x64: {  	_ =	shalt  }
0x65: {  	_ =	shalt  }
0x66: {  	_ =	shalt  }
0x67: {  	_ =	shalt  }
0x68: {  	_ =	shalt  }
0x69: {  	_ =	shalt  }
0x6a: {  	_ =	shalt  }
0x6b: {  	_ =	shalt  }
0x6c: {  	_ =	shalt  }
0x6d: {  	_ =	shalt  }
0x6e: {  	_ =	shalt  }
0x6f: {  	_ =	shalt  }
0x70: {  	_ =	shalt  }
0x71: {  	_ =	shalt  }
0x72: {  	_ =	shalt  }
0x73: {  	_ =	shalt  }
0x74: {  	_ =	shalt  }
0x75: {  	_ =	shalt  }
0x76: {  	_ =	shalt  }
0x77: {  	_ =	shalt  }
0x78: {  	_ =	shalt  }
0x79: {  	_ =	shalt  }
0x7a: {  	_ =	shalt  }
0x7b: {  	_ =	shalt  }
0x7c: {  	_ =	shalt  }
0x7d: {  	_ =	shalt  }
0x7e: {  	_ =	shalt  }
0x7f: {  	_ =	shalt  }
0x80: {  	_ =	shalt  }
0x81: {  	_ =	shalt  }
0x82: {  	_ =	shalt  }
0x83: {  	_ =	shalt  }
0x84: {  	_ =	shalt  }
0x85: {  	_ =	shalt  }
0x86: {  	_ =	shalt  }
0x87: {  	_ =	shalt  }
.Lfunc_end0:
.L_simem_size_0:
called_computation.2_lowered:
.L_overlay_start_0:
0x88: {  	s2 =	sld [smem:$0x3FD9]  }
0x89: {  	s3 =	sld [smem:$0x3FFE];
	_ =	sdelay $0x1  }
0x8a: {  	s1 =	srdreg.scid  }
0x8b: {  	s0 =	sand.u32 $0x1, s1  }
0x8c: {  	s17 =	sshll.u32 s0, $0xA;
	s2 =	sadd.s32 s3, s2  }
0x8d: {  	s2 =	sadd.s32 s2, s17  }
0x8e: {  	[smem:$0x3FBC] =	sst s2  }
0x8f: {  	_ = 	snop  }
0x90: {  	s2 =	sld [smem:$0x3FD0];
	(tm) =	ssettm $0x1  }
0x91: {  	s18 =	sld [smem:$0x3FFB];
	_ =	sdelay $0x3  }
0x92: {  	_ =	strace s18  }
0x93: {  	s3 =	sld [smem:$0x3FFC];
	_ =	sdelay $0x3  }
0x94: {  	_ =	strace s3  }
0x95: {  	s3 =	sld [smem:$0x3FFD];
	_ =	sdelay $0x3  }
0x96: {  	_ =	strace s3  }
0x97: {  	_ =	strace $0x8FFFFFFF  }
0x98: {  	s19 =	sld [smem:$0x3FDB];
	_ =	sdelay $0x1  }
0x99: {  	s4 =	simm.s32 $_scs_section_size  }
0x9a: {  	s5 =	simm.s32 $_size__tile_overlayer_lowered;
	s6 =	simm.s32 $_tile_overlayer_lowered  }
0x9b: {  	s22 =	simm.s32 $0x1BFF;
	s21 =	sshll.u32 s6, $0x1;
	s3 =	sadd.s32 s4, s19  }
0x9c: {  	s7 =	simm.s32 $0x0;
	s20 =	sshll.u32 s5, $0x1;
	s5 =	sadd.s32 s21, s3  }
0x9d: {  	[timem:s7], [sflag:s22] =	dma.local [hbm:s5], s20  }
0x9e: {  	_ =	swait.ge [sflag:s22], s20  }
0x9f: {  	s4 =	ssub.s32 $0x0, s20;
	[sflag:s22] =	ssyncset.done $0x0  }
0xa0: {  	[sflag:s22] =	ssyncadd.s32 s4;
	_ =	sdelay $0x1  }
0xa1: {  	s23 =	simm.s32 $0x1B8B  }
0xa2: {  	_ =	swait.ge [sflag:s23], $0x1  }
0xa3: {  	[sflag:s23] =	ssyncset.done $0x0  }
0xa4: {  	s25 =	simm.s32 $0x1B8E;
	s24 =	sld [smem:$0x3FFE];
	[sflag:s23] =	ssyncadd.s32 $0xFFFFFFFF  }
0xa5: {  	s26 =	simm.s32 $execute0_lowered;
	[smem:$0x3FD2] =	sst s25  }
0xa6: {  	s5 =	sshll.u32 s26, $0x1;
	_ =	strace $0x8000004C;
	[dreg:$0x1] =	wrdreg $0xFFFFFFFF  }
0xa7: {  	s28 =	simm.s32 $_size_execute0_lowered;
	s3 =	sadd.s32 s3, s5;
	[dreg:$0x0] =	wrdreg $0x0  }
0xa8: {  	s5 =	sshll.u32 s28, $0x1;
	[dreg:$0x2] =	wrdreg s3  }
0xa9: {  	[dreg:$0x3] =	wrdreg s5  }
0xaa: {  	[dreg:$0x4] =	wrdreg $0xC0  }
0xab: {  	_ =	task [dreg:s7], $0x5FFFF  }
0xac: {  	[dreg:$0x1] =	wrdreg $0xFFFFFFFF  }
0xad: {  	[dreg:$0x0] =	wrdreg $0x60  }
0xae: {  	[dreg:$0x2] =	wrdreg s24  }
0xaf: {  	[dreg:$0x3] =	wrdreg s2  }
0xb0: {  	[dreg:$0x4] =	wrdreg $0x9E000  }
0xb1: {  	[dreg:$0x5] =	wrdreg $0x0  }
0xb2: {  	[dreg:$0x6] =	wrdreg $0x9  }
0xb3: {  	_ =	task.clear_ibuf [dreg:s7], $0x7FFFF;
	_ =	strace $0x9000004C  }
0xb4: {  	s29 =	simm.s32 $0x9;
	_ =	strace $0x8000004E  }
0xb5: {  	_ =	swait.ge [sflag:s29], $0x1  }
0xb6: {  	[sflag:s29] =	ssyncadd.s32 $0xFFFFFFFF  }
0xb7: {  	_ =	strace $0x9000004E  }
0xb8: {  	_ =	sfence  }
0xb9: {  	s30 =	sld [smem:$0x0];
	_ =	sdelay $0x2  }
0xba: {  	s31 =	sshll.u32 s1, $0xD;
	s1 =	sshrl.u32 s1, $0x2  }
0xbb: {  	s3 =	sand.u32 $0x4000, s31;
	s1 =	sadd.s32 s1, s30  }
0xbc: {  	s0 =	sor.u32 s3, s0;
	s1 =	sshll.u32 s1, $0x11  }
0xbd: {  	s0 =	sor.u32 s1, s0  }
0xbe: {  	s0 =	sadd.s32 $0x8F2B, s0  }
0xbf: {  	[sflag:s0] =	ssyncadd.remote.s32 $0x1  }
0xc0: {  	_ =	sfence.sel $0xFFFF  }
0xc1: {  	[dreg:$0x0] =	wrdreg $0xFFFFFFFF;
	(pc) =	sbr.abs _section_cstart, $3  }
0xc2: {  	[dreg:$0x1] =	wrdreg $0xFFFFFFFF  }
0xc3: {  	_ =	task.clear_ibuf [dreg:s7], $0x2FFFF;
	_ =	strace $0x9FFFFFFF  }
0xc4: {  	(tm) =	ssettm $0x7FFFFFFF  }
0xc5: {  	_ =	shalt  }
tec
execute0_lowered:
.L_overlay_start_1:
0x0: {  	(tag) =	ssettag $0x1  }
0x1: {  	s6 =	rddreg [dreg:$0x0]  }
0x2: {  	s1 =	rddreg [dreg:$0x1]  }
0x3: {  	s3 =	rddreg [dreg:$0x2]  }
0x4: {  	s0 =	srdreg.scid;
	s4 =	rddreg [dreg:$0x3]  }
0x5: {  	s2 =	rddreg [dreg:$0x4];
	s5 =	simm.s32 $0x0;
	s15 =	simm.s32 $0x13C00  }
0x6: {  	s16 =	simm.s32 $0x18A80;
	s17 =	simm.s32 $0x80;
	s7 =	sand.u32 $0x1, s0  }
0x7: {  	s18 =	simm.s32 $0x1D900;
	s0 =	stileid.u32;
	s8 =	smul.u32 $0x9E000, s7  }
0x8: {  	s19 =	simm.s32 $0x0;
	[smem:$0x7FF] =	sst s5;
	s9 =	smul.u32 $0x9E00, s0  }
0x9: {  	s10 =	smul.u32 $0x9D0, s0;
	_ =	strace $0x8000004D;
	s7 =	ssub.s32 $0x2, s7  }
0xa: {  	s31 =	sshll.u32 s0, $0x6;
	s30 =	sshrl.u32 s7, $0x1;
	s8 =	sadd.s32 s9, s8  }
0xb: {  	s10 =	sadd.s32 s10, s6;
	s12 =	ssub.s32 s7, s30;
	s13 =	sadd.s32 s9, s3  }
0xc: {  	s7 =	sor.u32 $0x1C01, s31;
	s14 =	sadd.s32 s9, s4;
	s8 =	sshrl.u32 s8, $0x3  }
0xd: {  	s9 =	sadd.s32 $0xCC00, s10;
	s14 =	sshrl.u32 s14, $0x3;
	s11 =	sadd.s32 s8, s6  }
0xe: {  	s8 =	sadd.s32 $0x16A00, s10;
	s6 =	sadd.s32 $0x6F800, s11;
	s10 =	sadd.s32 $0x97000, s11  }
0xf: {  	s11 =	smax.u32 s12, $0x1;
	s12 =	sshrl.u32 s13, $0x3;
	s13 =	simm.s32 $0x1  }
.LBB2_1:
0x10: {  	[spmem:s12], [sflag:s7] =	dma.local [hbm:s6], $0x13C0  }
0x11: {  	_ =	swait.ge [sflag:s13], $0x13C0  }
0x12: {  	[sflag:s13] =	ssyncset.done $0x0  }
0x13: {  	[sflag:s13] =	ssyncadd.s32 $0xFFFFEC40  }
0x14: {  	[spmem:s14], [sflag:s7] =	dma.local [hbm:s1], $0x13C0  }
0x15: {  	_ =	swait.ge [sflag:s13], $0x13C0  }
0x16: {  	[sflag:s13] =	ssyncset.done $0x0  }
0x17: {  	[sflag:s13] =	ssyncadd.s32 $0xFFFFEC40  }
0x18: {  	[bflag:$0x0] =	sbarrier.arrive $0xFFFF  }
0x19: {  	[tilespmem:s15], [sflag:$0x1] =	stream.linear.gather [hbm4b:s8+s5], $0x4E80, $0x38;
	[tilespmem:$0x1F900] =	vst v63  }
0x1a: {  	_ =	swait.ge [sflag:s13], $0x4E80  }
0x1b: {  	[sflag:s13] =	ssyncset.done $0x0  }
0x1c: {  	[sflag:s13] =	ssyncadd.s32 $0xFFFFB180  }
0x1d: {  	[tilespmem:s16], [sflag:$0x1] =	stream.linear.gather [hbm4b:s9+s5], $0x4E80, $0x38;
	[tilespmem:$0x1F900] =	vst v63  }
0x1e: {  	_ =	swait.ge [sflag:s13], $0x4E80  }
0x1f: {  	[sflag:s13] =	ssyncset.done $0x0  }
0x20: {  	s20 =	simm.s32 $0x13C00;
	[sflag:s13] =	ssyncadd.s32 $0xFFFFB180  }
0x21: {  	[tilespmem:s18], [sflag:$0x1] =	stream.indirect.gather [spmem:s3], $0x40, s20, s17, $0xb8;
	[tilespmem:$0x1F900] =	vst v63  }
0x22: {  	_ =	swait.ge [sflag:s13], $0x2000  }
0x23: {  	[sflag:s13] =	ssyncset.done $0x0  }
0x24: {  	s31 =	simm.s32 $0x18A80;
	[sflag:s13] =	ssyncadd.s32 $0xFFFFE000  }
0x25: {  	[spmem:s4] =	stream.indirect.scatter.add.f32 [tilespmem:s18], [sflag:$0x1], $0x40, s31, s17, $0xb8;
	[tilespmem:$0x1F900] =	vst v63  }
0x26: {  	_ =	swait.ge [sflag:s13], $0x2000  }
0x27: {  	s21 =	simm.s32 $0x400;
	s20 =	simm.s32 $0x80;
	[sflag:s13] =	ssyncset.done $0x0  }
.LBB2_2:
0x28: {  	s22 =	sadd.s32 $0x13C00, s20  }
0x29: {  	[sflag:s13] =	ssyncadd.s32 $0xFFFFE000;
	s23 =	smov.u32 s21;
	s24 =	sadd.s32 $0x200, s21  }
0x2a: {  	[tilespmem:s18], [sflag:$0x1] =	stream.indirect.gather [spmem:s3], $0x40, s22, s17, $0xb8;
	[tilespmem:$0x1F900] =	vst v63  }
0x2b: {  	p0 =	sne.s32 s21, $0x13800;
	_ =	swait.ge [sflag:s13], $0x2000  }
.Ltmp0:
0x2c: {  	[sflag:s13] =	ssyncset.done $0x0;
	(pc) =	sbr.rel @p0 .LBB2_2-.Ltmp0, $4  }
0x2d: {  	s20 =	sadd.s32 $0x18A80, s20;
	[sflag:s13] =	ssyncadd.s32 $0xFFFFE000  }
0x2e: {  	[spmem:s4] =	stream.indirect.scatter.add.f32 [tilespmem:s18], [sflag:$0x1], $0x40, s20, s17, $0xb8;
	[tilespmem:$0x1F900] =	vst v63  }
0x2f: {  	_ =	swait.ge [sflag:s13], $0x2000  }
0x30: {  	s21 =	smov.u32 s24;
	s20 =	sshra.s32 s23, $0x2;
	[sflag:s13] =	ssyncset.done $0x0  }
0x31: {  	s21 =	sadd.s32 $0x13C00, s20;
	[sflag:s13] =	ssyncadd.s32 $0xFFFFE000  }
0x32: {  	[tilespmem:s18], [sflag:$0x1] =	stream.indirect.gather [spmem:s3], $0x40, s21, s17, $0xb8;
	[tilespmem:$0x1F900] =	vst v63  }
0x33: {  	_ =	swait.ge [sflag:s13], $0x2000  }
0x34: {  	[sflag:s13] =	ssyncset.done $0x0  }
0x35: {  	s31 =	sadd.s32 $0x18A80, s20;
	[sflag:s13] =	ssyncadd.s32 $0xFFFFE000  }
0x36: {  	[spmem:s4] =	stream.indirect.scatter.add.f32 [tilespmem:s18], [sflag:$0x1], $0x40, s31, s17, $0xb8;
	[tilespmem:$0x1F900] =	vst v63  }
0x37: {  	_ =	swait.ge [sflag:s13], $0x2000  }
0x38: {  	s19 =	sadd.s32 $0x1, s19;
	[sflag:s13] =	ssyncset.done $0x0  }
0x39: {  	p0 =	sne.s32 s19, s11;
	[sflag:s13] =	ssyncadd.s32 $0xFFFFE000  }
.Ltmp1:
0x3a: {  	[bflag:$0x0] =	sbarrier.arrive $0xFFFF;
	(pc) =	sbr.rel @p0 .LBB2_1-.Ltmp1, $4  }
0x3b: {  	[hbm:s10], [sflag:s7] =	dma.local [spmem:s14], $0x13C0  }
0x3c: {  	_ =	swait.ge [sflag:s13], $0x13C0  }
0x3d: {  	[sflag:s13] =	ssyncset.done $0x0  }
0x3e: {  	[sflag:s13] =	ssyncadd.s32 $0xFFFFEC40  }
0x3f: {  	_ =	sfence.sel $0x180000  }
0x40: {  	[bflag:$0x0] =	sbarrier.arrive $0xFFFF  }
0x41: {  	p0 =	sne.s32 s0, $0x0;
	_ =	strace $0x9000004D  }
0x42: {  	s0 =	sadd.s32 @!p0 $0x100000, s2;
	[bflag:$0x2] =	sbarrier.arrive $0xFFFF  }
0x43: {  	[sflag:s0] =	ssyncadd.tile.s32 @!p0 $0x1;
	_ =	shalt  }
.Lfunc_end2:
_tile_overlayer_lowered:
.L_overlay_start_2:
0x44: {  	(tag) =	ssettag $0x2  }
0x45: {  	s0 =	rddreg [dreg:$0x0];
	s2 =	stileid.u32  }
0x46: {  	s1 =	rddreg [dreg:$0x1];
	p0 =	sne.s32 s2, $0x0  }
0x47: {  	s3 =	rddreg [dreg:$0x2];
	[bflag:$0x3] =	sbarrier.arrive $0xFFFF;
	s2 =	simm.s32 @!p0 $0x1C01  }
0x48: {  	[timem:s3], [sflag:s2] =	dma.local @!p0 [hbm:s0], s1  }
0x49: {  	s0 =	simm.s32 @!p0 $0x1  }
0x4a: {  	_ =	swait.ge @!p0 [sflag:s0], s1  }
0x4b: {  	s1 =	ssub.s32 @!p0 $0x0, s1;
	[sflag:s0] =	ssyncset.done @!p0 $0x0  }
0x4c: {  	[sflag:s0] =	ssyncadd.s32 @!p0 s1  }
0x4d: {  	[bflag:$0x3] =	sbarrier.arrive $0xFFFF  }
0x4e: {  	_ =	shalt  }

// kernel: kernel.19.cloned.1.call-start
scs
__scs_entry_jumppad:
0x0: {  	(pc) =	sbr.rel $0x88, $3  }
0x1: {  	(tag) =	ssettag $0x0;
	lr =	simm.s32 $0x1  }
0x2: {  	[smem:$0x3F95] =	sst lr;
	_ =	strace $0xD0000000  }
0x3: {  	_ = 	snop  }
0x4: {  	_ = 	snop  }
0x5: {  	_ = 	snop  }
0x6: {  	_ = 	snop  }
0x7: {  	_ = 	snop  }
__scs_overlays_trampoline_lowered:
0x8: {  	[smem:$0x3FA4] =	sst s0  }
0x9: {  	[smem:$0x3FA5] =	sst s1  }
0xa: {  	[smem:$0x3FA6] =	sst s2  }
0xb: {  	[smem:$0x3FA7] =	sst s3  }
0xc: {  	[smem:$0x3FA8] =	sst s4  }
0xd: {  	[smem:$0x3FA9] =	sst s5  }
0xe: {  	[smem:$0x3FAA] =	sst s6  }
0xf: {  	[smem:$0x3FAB] =	sst s7  }
0x10: {  	[smem:$0x3FAC] =	sst s8  }
0x11: {  	[smem:$0x3FAD] =	sst s9;
	s0 =	simm.s32 @!p0 $0x0  }
0x12: {  	s1 =	sld [smem:$0x3F93];
	s0 =	simm.s32 @p0 $0x1  }
0x13: {  	[smem:$0x3FAE] =	sst s0;
	s0 =	simm.s32 @!p1 $0x0  }
0x14: {  	s2 =	sld [smem:$0x3F92];
	s0 =	simm.s32 @p1 $0x1  }
0x15: {  	[smem:$0x3FAF] =	sst s0;
	s0 =	simm.s32 @!p2 $0x0  }
0x16: {  	s3 =	sld [smem:$0x3FDB];
	s0 =	simm.s32 @p2 $0x1  }
0x17: {  	s4 =	simm.s32 $0x1BF5;
	[smem:$0x3FB1] =	sst s0  }
0x18: {  	s0 =	sld [smem:$0x3F94];
	_ =	swait.ge [sflag:s4], $0x0  }
0x19: {  	s7 =	sld [smem:$0x3F95]  }
0x1a: {  	s8 =	sadd.s32 $0xFFFFE003, lr  }
0x1b: {  	s9 =	sadd.s32 $0xFFFFFEF7, lr;
	s5 =	simm.s32 $0xFFFFFFFF;
	p2 =	slt.u32 s8, $0xFFFFF086  }
0x1c: {  	p1 =	slt.u32 s9, $0xF7A;
	s5 =	simm.s32 @!p2 $0x0  }
0x1d: {  	s5 =	simm.s32 @p1 $0x1;
	p0 =	seq.s32 s7, s2  }
0x1e: {  	s7 =	smul.u32 @!p0 $0xF7A, s2;
	p2 =	seq.s32 @!p0 s5, $0x0  }
0x1f: {  	s9 =	smul.u32 $0xF7A, s1;
	s8 =	simm.s32 @!p0 $0x1BF5;
	p2 =	por !p2, p0  }
0x20: {  	[sflag:s8] =	ssyncset.s32 @!p0 $0xFFFFF086;
	s6 =	sadd.s32 @!p0 s3, s7;
	s7 =	simm.s32 @!p0 $0x108  }
0x21: {  	s3 =	sadd.s32 s3, s9;
	s6 =	sadd.s32 @!p0 $0x88, s6;
	s7 =	simm.s32 @p2 $0x1082  }
0x22: {  	[simem:s7], [sflag:s8] =	dma.local @!p0 [hbm:s6], $0xF7A  }
0x23: {  	s9 =	sor.u32 $0xD0000000, s2;
	s6 =	simm.s32 $0x108;
	_ =	swait.ge @!p0 [sflag:s8], $0x0  }
0x24: {  	s3 =	sadd.s32 $0x88, s3;
	s6 =	simm.s32 @!p1 $0x1082;
	[sflag:s4] =	ssyncset.s32 $0xFFFFF086  }
0x25: {  	[simem:s6], [sflag:s4] =	dma.local [hbm:s3], $0xF7A  }
0x26: {  	[smem:$0x3F95] =	sst s1;
	(tag) =	ssettag s2;
	_ =	strace s9  }
0x27: {  	s1 =	sld [smem:$0x3FA5]  }
0x28: {  	s2 =	sld [smem:$0x3FA6]  }
0x29: {  	s4 =	sld [smem:$0x3FA8]  }
0x2a: {  	p0 =	seq.s32 s5, $0x0;
	s5 =	sld [smem:$0x3FA9]  }
0x2b: {  	s6 =	sld [smem:$0x3FAA]  }
0x2c: {  	s7 =	sld [smem:$0x3FAB]  }
0x2d: {  	s3 =	simm.s32 $0x108;
	s8 =	sld [smem:$0x3FAC]  }
0x2e: {  	s3 =	simm.s32 @!p0 $0x1082;
	s9 =	sld [smem:$0x3FAD]  }
0x2f: {  	lr =	sadd.s32 s0, s3;
	s0 =	sld [smem:$0x3FA4]  }
0x30: {  	s3 =	sld [smem:$0x3FA7]  }
0x31: {  	[smem:$0x3FB0] =	sst s10  }
0x32: {  	s10 =	sld [smem:$0x3FAE];
	_ =	sdelay $0x3  }
0x33: {  	p0 =	seq.s32 s10, $0x1;
	s10 =	sld [smem:$0x3FB0];
	_ =	sdelay $0x3  }
0x34: {  	[smem:$0x3FB0] =	sst s10  }
0x35: {  	s10 =	sld [smem:$0x3FAF];
	_ =	sdelay $0x3  }
0x36: {  	p1 =	seq.s32 s10, $0x1;
	s10 =	sld [smem:$0x3FB0];
	_ =	sdelay $0x3  }
0x37: {  	[smem:$0x3FB0] =	sst s10  }
0x38: {  	s10 =	sld [smem:$0x3FB1]  }
0x39: {  	_ = 	snop;
	(pc) =	sbr.ind lr, $3  }
0x3a: {  	_ = 	snop  }
0x3b: {  	_ = 	snop  }
0x3c: {  	p2 =	seq.s32 s10, $0x1;
	s10 =	sld [smem:$0x3FB0]  }
0x3d: {  	_ =	shalt  }
0x3e: {  	_ =	shalt  }
0x3f: {  	_ =	shalt  }
0x40: {  	_ =	shalt  }
0x41: {  	_ =	shalt  }
0x42: {  	_ =	shalt  }
0x43: {  	_ =	shalt  }
0x44: {  	_ =	shalt  }
0x45: {  	_ =	shalt  }
0x46: {  	_ =	shalt  }
0x47: {  	_ =	shalt  }
0x48: {  	_ =	shalt  }
0x49: {  	_ =	shalt  }
0x4a: {  	_ =	shalt  }
0x4b: {  	_ =	shalt  }
0x4c: {  	_ =	shalt  }
0x4d: {  	_ =	shalt  }
0x4e: {  	_ =	shalt  }
0x4f: {  	_ =	shalt  }
0x50: {  	_ =	shalt  }
0x51: {  	_ =	shalt  }
0x52: {  	_ =	shalt  }
0x53: {  	_ =	shalt  }
0x54: {  	_ =	shalt  }
0x55: {  	_ =	shalt  }
0x56: {  	_ =	shalt  }
0x57: {  	_ =	shalt  }
0x58: {  	_ =	shalt  }
0x59: {  	_ =	shalt  }
0x5a: {  	_ =	shalt  }
0x5b: {  	_ =	shalt  }
0x5c: {  	_ =	shalt  }
0x5d: {  	_ =	shalt  }
0x5e: {  	_ =	shalt  }
0x5f: {  	_ =	shalt  }
0x60: {  	_ =	shalt  }
0x61: {  	_ =	shalt  }
0x62: {  	_ =	shalt  }
0x63: {  	_ =	shalt  }
0x64: {  	_ =	shalt  }
0x65: {  	_ =	shalt  }
0x66: {  	_ =	shalt  }
0x67: {  	_ =	shalt  }
0x68: {  	_ =	shalt  }
0x69: {  	_ =	shalt  }
0x6a: {  	_ =	shalt  }
0x6b: {  	_ =	shalt  }
0x6c: {  	_ =	shalt  }
0x6d: {  	_ =	shalt  }
0x6e: {  	_ =	shalt  }
0x6f: {  	_ =	shalt  }
0x70: {  	_ =	shalt  }
0x71: {  	_ =	shalt  }
0x72: {  	_ =	shalt  }
0x73: {  	_ =	shalt  }
0x74: {  	_ =	shalt  }
0x75: {  	_ =	shalt  }
0x76: {  	_ =	shalt  }
0x77: {  	_ =	shalt  }
0x78: {  	_ =	shalt  }
0x79: {  	_ =	shalt  }
0x7a: {  	_ =	shalt  }
0x7b: {  	_ =	shalt  }
0x7c: {  	_ =	shalt  }
0x7d: {  	_ =	shalt  }
0x7e: {  	_ =	shalt  }
0x7f: {  	_ =	shalt  }
0x80: {  	_ =	shalt  }
0x81: {  	_ =	shalt  }
0x82: {  	_ =	shalt  }
0x83: {  	_ =	shalt  }
0x84: {  	_ =	shalt  }
0x85: {  	_ =	shalt  }
0x86: {  	_ =	shalt  }
0x87: {  	_ =	shalt  }
.Lfunc_end0:
.L_simem_size_0:
called_computation.3_lowered:
.L_overlay_start_0:
0x88: {  	s2 =	sld [smem:$0x3FD9]  }
0x89: {  	s3 =	sld [smem:$0x3FFE];
	_ =	sdelay $0x1  }
0x8a: {  	s1 =	srdreg.scid  }
0x8b: {  	s0 =	sand.u32 $0x1, s1  }
0x8c: {  	s17 =	sshll.u32 s0, $0xA;
	s2 =	sadd.s32 s3, s2  }
0x8d: {  	s2 =	sadd.s32 s2, s17  }
0x8e: {  	[smem:$0x3FBC] =	sst s2  }
0x8f: {  	_ = 	snop  }
0x90: {  	s2 =	sld [smem:$0x3FD0];
	(tm) =	ssettm $0x1  }
0x91: {  	s18 =	sld [smem:$0x3FFB];
	_ =	sdelay $0x3  }
0x92: {  	_ =	strace s18  }
0x93: {  	s3 =	sld [smem:$0x3FFC];
	_ =	sdelay $0x3  }
0x94: {  	_ =	strace s3  }
0x95: {  	s3 =	sld [smem:$0x3FFD];
	_ =	sdelay $0x3  }
0x96: {  	_ =	strace s3  }
0x97: {  	_ =	strace $0x8FFFFFFF  }
0x98: {  	s19 =	sld [smem:$0x3FDB];
	_ =	sdelay $0x1  }
0x99: {  	s4 =	simm.s32 $_scs_section_size  }
0x9a: {  	s5 =	simm.s32 $_size__tile_overlayer_lowered;
	s6 =	simm.s32 $_tile_overlayer_lowered  }
0x9b: {  	s22 =	simm.s32 $0x1BFF;
	s21 =	sshll.u32 s6, $0x1;
	s3 =	sadd.s32 s4, s19  }
0x9c: {  	s7 =	simm.s32 $0x0;
	s20 =	sshll.u32 s5, $0x1;
	s5 =	sadd.s32 s21, s3  }
0x9d: {  	[timem:s7], [sflag:s22] =	dma.local [hbm:s5], s20  }
0x9e: {  	_ =	swait.ge [sflag:s22], s20  }
0x9f: {  	s4 =	ssub.s32 $0x0, s20;
	[sflag:s22] =	ssyncset.done $0x0  }
0xa0: {  	[sflag:s22] =	ssyncadd.s32 s4;
	_ =	sdelay $0x1  }
0xa1: {  	s23 =	simm.s32 $0x1B8B  }
0xa2: {  	_ =	swait.ge [sflag:s23], $0x1  }
0xa3: {  	[sflag:s23] =	ssyncset.done $0x0  }
0xa4: {  	s25 =	simm.s32 $0x1B8E;
	s24 =	sld [smem:$0x3FFE];
	[sflag:s23] =	ssyncadd.s32 $0xFFFFFFFF  }
0xa5: {  	s26 =	simm.s32 $execute0_lowered;
	[smem:$0x3FD2] =	sst s25  }
0xa6: {  	s5 =	sshll.u32 s26, $0x1;
	_ =	strace $0x8000004F;
	[dreg:$0x1] =	wrdreg $0xFFFFFFFF  }
0xa7: {  	s28 =	simm.s32 $_size_execute0_lowered;
	s3 =	sadd.s32 s3, s5;
	[dreg:$0x0] =	wrdreg $0x0  }
0xa8: {  	s5 =	sshll.u32 s28, $0x1;
	[dreg:$0x2] =	wrdreg s3  }
0xa9: {  	[dreg:$0x3] =	wrdreg s5  }
0xaa: {  	[dreg:$0x4] =	wrdreg $0xC0  }
0xab: {  	_ =	task [dreg:s7], $0x5FFFF  }
0xac: {  	[dreg:$0x1] =	wrdreg $0xFFFFFFFF  }
0xad: {  	[dreg:$0x0] =	wrdreg $0x60  }
0xae: {  	[dreg:$0x2] =	wrdreg s24  }
0xaf: {  	[dreg:$0x3] =	wrdreg s2  }
0xb0: {  	[dreg:$0x4] =	wrdreg $0x9E000  }
0xb1: {  	[dreg:$0x5] =	wrdreg $0x0  }
0xb2: {  	[dreg:$0x6] =	wrdreg $0x9  }
0xb3: {  	_ =	task.clear_ibuf [dreg:s7], $0x7FFFF;
	_ =	strace $0x9000004F  }
0xb4: {  	s29 =	simm.s32 $0x9;
	_ =	strace $0x80000051  }
0xb5: {  	_ =	swait.ge [sflag:s29], $0x1  }
0xb6: {  	[sflag:s29] =	ssyncadd.s32 $0xFFFFFFFF  }
0xb7: {  	_ =	strace $0x90000051  }
0xb8: {  	_ =	sfence  }
0xb9: {  	s30 =	sld [smem:$0x0];
	_ =	sdelay $0x2  }
0xba: {  	s31 =	sshll.u32 s1, $0xD;
	s1 =	sshrl.u32 s1, $0x2  }
0xbb: {  	s3 =	sand.u32 $0x4000, s31;
	s1 =	sadd.s32 s1, s30  }
0xbc: {  	s0 =	sor.u32 s3, s0;
	s1 =	sshll.u32 s1, $0x11  }
0xbd: {  	s0 =	sor.u32 s1, s0  }
0xbe: {  	s0 =	sadd.s32 $0x8F2B, s0  }
0xbf: {  	[sflag:s0] =	ssyncadd.remote.s32 $0x1  }
0xc0: {  	_ =	sfence.sel $0xFFFF  }
0xc1: {  	[dreg:$0x0] =	wrdreg $0xFFFFFFFF;
	(pc) =	sbr.abs _section_cstart, $3  }
0xc2: {  	[dreg:$0x1] =	wrdreg $0xFFFFFFFF  }
0xc3: {  	_ =	task.clear_ibuf [dreg:s7], $0x2FFFF;
	_ =	strace $0x9FFFFFFF  }
0xc4: {  	(tm) =	ssettm $0x7FFFFFFF  }
0xc5: {  	_ =	shalt  }
tec
execute0_lowered:
.L_overlay_start_1:
0x0: {  	(tag) =	ssettag $0x1  }
0x1: {  	s6 =	rddreg [dreg:$0x0]  }
0x2: {  	s1 =	rddreg [dreg:$0x1]  }
0x3: {  	s3 =	rddreg [dreg:$0x2]  }
0x4: {  	s0 =	srdreg.scid;
	s4 =	rddreg [dreg:$0x3]  }
0x5: {  	s2 =	rddreg [dreg:$0x4];
	s5 =	simm.s32 $0x0;
	s15 =	simm.s32 $0x13C00  }
0x6: {  	s16 =	simm.s32 $0x18A80;
	s17 =	simm.s32 $0x80;
	s7 =	sand.u32 $0x1, s0  }
0x7: {  	s18 =	simm.s32 $0x1D900;
	s0 =	stileid.u32;
	s8 =	smul.u32 $0x9E000, s7  }
0x8: {  	s19 =	simm.s32 $0x0;
	[smem:$0x7FF] =	sst s5;
	s9 =	smul.u32 $0x9E00, s0  }
0x9: {  	s10 =	smul.u32 $0x9D0, s0;
	_ =	strace $0x80000050;
	s7 =	ssub.s32 $0x2, s7  }
0xa: {  	s31 =	sshll.u32 s0, $0x6;
	s30 =	sshrl.u32 s7, $0x1;
	s8 =	sadd.s32 s9, s8  }
0xb: {  	s10 =	sadd.s32 s10, s6;
	s12 =	ssub.s32 s7, s30;
	s13 =	sadd.s32 s9, s3  }
0xc: {  	s7 =	sor.u32 $0x1C01, s31;
	s14 =	sadd.s32 s9, s4;
	s8 =	sshrl.u32 s8, $0x3  }
0xd: {  	s9 =	sadd.s32 $0xCC00, s10;
	s14 =	sshrl.u32 s14, $0x3;
	s11 =	sadd.s32 s8, s6  }
0xe: {  	s8 =	sadd.s32 $0x16A00, s10;
	s6 =	sadd.s32 $0x6F800, s11;
	s10 =	sadd.s32 $0x97000, s11  }
0xf: {  	s11 =	smax.u32 s12, $0x1;
	s12 =	sshrl.u32 s13, $0x3;
	s13 =	simm.s32 $0x1  }
.LBB2_1:
0x10: {  	[spmem:s12], [sflag:s7] =	dma.local [hbm:s6], $0x13C0  }
0x11: {  	_ =	swait.ge [sflag:s13], $0x13C0  }
0x12: {  	[sflag:s13] =	ssyncset.done $0x0  }
0x13: {  	[sflag:s13] =	ssyncadd.s32 $0xFFFFEC40  }
0x14: {  	[spmem:s14], [sflag:s7] =	dma.local [hbm:s1], $0x13C0  }
0x15: {  	_ =	swait.ge [sflag:s13], $0x13C0  }
0x16: {  	[sflag:s13] =	ssyncset.done $0x0  }
0x17: {  	[sflag:s13] =	ssyncadd.s32 $0xFFFFEC40  }
0x18: {  	[bflag:$0x0] =	sbarrier.arrive $0xFFFF  }
0x19: {  	[tilespmem:s15], [sflag:$0x1] =	stream.linear.gather [hbm4b:s8+s5], $0x4E80, $0x38;
	[tilespmem:$0x1F900] =	vst v63  }
0x1a: {  	_ =	swait.ge [sflag:s13], $0x4E80  }
0x1b: {  	[sflag:s13] =	ssyncset.done $0x0  }
0x1c: {  	[sflag:s13] =	ssyncadd.s32 $0xFFFFB180  }
0x1d: {  	[tilespmem:s16], [sflag:$0x1] =	stream.linear.gather [hbm4b:s9+s5], $0x4E80, $0x38;
	[tilespmem:$0x1F900] =	vst v63  }
0x1e: {  	_ =	swait.ge [sflag:s13], $0x4E80  }
0x1f: {  	[sflag:s13] =	ssyncset.done $0x0  }
0x20: {  	s20 =	simm.s32 $0x13C00;
	[sflag:s13] =	ssyncadd.s32 $0xFFFFB180  }
0x21: {  	[tilespmem:s18], [sflag:$0x1] =	stream.indirect.gather [spmem:s3], $0x40, s20, s17, $0xb8;
	[tilespmem:$0x1F900] =	vst v63  }
0x22: {  	_ =	swait.ge [sflag:s13], $0x2000  }
0x23: {  	[sflag:s13] =	ssyncset.done $0x0  }
0x24: {  	s31 =	simm.s32 $0x18A80;
	[sflag:s13] =	ssyncadd.s32 $0xFFFFE000  }
0x25: {  	[spmem:s4] =	stream.indirect.scatter.add.f32 [tilespmem:s18], [sflag:$0x1], $0x40, s31, s17, $0xb8;
	[tilespmem:$0x1F900] =	vst v63  }
0x26: {  	_ =	swait.ge [sflag:s13], $0x2000  }
0x27: {  	s21 =	simm.s32 $0x400;
	s20 =	simm.s32 $0x80;
	[sflag:s13] =	ssyncset.done $0x0  }
.LBB2_2:
0x28: {  	s22 =	sadd.s32 $0x13C00, s20  }
0x29: {  	[sflag:s13] =	ssyncadd.s32 $0xFFFFE000;
	s23 =	smov.u32 s21;
	s24 =	sadd.s32 $0x200, s21  }
0x2a: {  	[tilespmem:s18], [sflag:$0x1] =	stream.indirect.gather [spmem:s3], $0x40, s22, s17, $0xb8;
	[tilespmem:$0x1F900] =	vst v63  }
0x2b: {  	p0 =	sne.s32 s21, $0x13800;
	_ =	swait.ge [sflag:s13], $0x2000  }
.Ltmp0:
0x2c: {  	[sflag:s13] =	ssyncset.done $0x0;
	(pc) =	sbr.rel @p0 .LBB2_2-.Ltmp0, $4  }
0x2d: {  	s20 =	sadd.s32 $0x18A80, s20;
	[sflag:s13] =	ssyncadd.s32 $0xFFFFE000  }
0x2e: {  	[spmem:s4] =	stream.indirect.scatter.add.f32 [tilespmem:s18], [sflag:$0x1], $0x40, s20, s17, $0xb8;
	[tilespmem:$0x1F900] =	vst v63  }
0x2f: {  	_ =	swait.ge [sflag:s13], $0x2000  }
0x30: {  	s21 =	smov.u32 s24;
	s20 =	sshra.s32 s23, $0x2;
	[sflag:s13] =	ssyncset.done $0x0  }
0x31: {  	s21 =	sadd.s32 $0x13C00, s20;
	[sflag:s13] =	ssyncadd.s32 $0xFFFFE000  }
0x32: {  	[tilespmem:s18], [sflag:$0x1] =	stream.indirect.gather [spmem:s3], $0x40, s21, s17, $0xb8;
	[tilespmem:$0x1F900] =	vst v63  }
0x33: {  	_ =	swait.ge [sflag:s13], $0x2000  }
0x34: {  	[sflag:s13] =	ssyncset.done $0x0  }
0x35: {  	s31 =	sadd.s32 $0x18A80, s20;
	[sflag:s13] =	ssyncadd.s32 $0xFFFFE000  }
0x36: {  	[spmem:s4] =	stream.indirect.scatter.add.f32 [tilespmem:s18], [sflag:$0x1], $0x40, s31, s17, $0xb8;
	[tilespmem:$0x1F900] =	vst v63  }
0x37: {  	_ =	swait.ge [sflag:s13], $0x2000  }
0x38: {  	s19 =	sadd.s32 $0x1, s19;
	[sflag:s13] =	ssyncset.done $0x0  }
0x39: {  	p0 =	sne.s32 s19, s11;
	[sflag:s13] =	ssyncadd.s32 $0xFFFFE000  }
.Ltmp1:
0x3a: {  	[bflag:$0x0] =	sbarrier.arrive $0xFFFF;
	(pc) =	sbr.rel @p0 .LBB2_1-.Ltmp1, $4  }
0x3b: {  	[hbm:s10], [sflag:s7] =	dma.local [spmem:s14], $0x13C0  }
0x3c: {  	_ =	swait.ge [sflag:s13], $0x13C0  }
0x3d: {  	[sflag:s13] =	ssyncset.done $0x0  }
0x3e: {  	[sflag:s13] =	ssyncadd.s32 $0xFFFFEC40  }
0x3f: {  	_ =	sfence.sel $0x180000  }
0x40: {  	[bflag:$0x0] =	sbarrier.arrive $0xFFFF  }
0x41: {  	p0 =	sne.s32 s0, $0x0;
	_ =	strace $0x90000050  }
0x42: {  	s0 =	sadd.s32 @!p0 $0x100000, s2;
	[bflag:$0x2] =	sbarrier.arrive $0xFFFF  }
0x43: {  	[sflag:s0] =	ssyncadd.tile.s32 @!p0 $0x1;
	_ =	shalt  }
.Lfunc_end2:
_tile_overlayer_lowered:
.L_overlay_start_2:
0x44: {  	(tag) =	ssettag $0x2  }
0x45: {  	s0 =	rddreg [dreg:$0x0];
	s2 =	stileid.u32  }
0x46: {  	s1 =	rddreg [dreg:$0x1];
	p0 =	sne.s32 s2, $0x0  }
0x47: {  	s3 =	rddreg [dreg:$0x2];
	[bflag:$0x3] =	sbarrier.arrive $0xFFFF;
	s2 =	simm.s32 @!p0 $0x1C01  }
0x48: {  	[timem:s3], [sflag:s2] =	dma.local @!p0 [hbm:s0], s1  }
0x49: {  	s0 =	simm.s32 @!p0 $0x1  }
0x4a: {  	_ =	swait.ge @!p0 [sflag:s0], s1  }
0x4b: {  	s1 =	ssub.s32 @!p0 $0x0, s1;
	[sflag:s0] =	ssyncset.done @!p0 $0x0  }
0x4c: {  	[sflag:s0] =	ssyncadd.s32 @!p0 s1  }
0x4d: {  	[bflag:$0x3] =	sbarrier.arrive $0xFFFF  }
0x4e: {  	_ =	shalt  }

</sc_bundles>
